<compile_context>
chip_gen: v7x
topology: tpu7x:2x2x1
jax: 0.10.2.dev20260603
libtpu: 0.0.44.dev20260713+nightly
codegen_flags: <defaults>
</compile_context>

<pallas_src>
import jax
import jax.numpy as jnp
from jax.experimental import pallas as pl
from jax.experimental.pallas import tpu as pltpu
from jax.experimental.pallas import tpu_sc as plsc

NBINS = 100
NCHUNK = 4


def _sc_gather_body(t_hbm, mean_hbm, std_hbm, out_hbm, t_v, idx_v, mg_v, sg_v,
                    p_v, sem):
    c = jax.lax.axis_index("c")
    s = jax.lax.axis_index("s")

    @pl.when(jnp.logical_and(c == 0, s == 0))
    def _():
        pltpu.sync_copy(t_hbm, t_v)
        for g in range(8):
            tv = t_v[pl.ds(g * 16, 16)]
            bins = jnp.clip((tv * NBINS).astype(jnp.int32), 0, NBINS - 1)
            idx_v[pl.ds(g * 16, 16)] = bins
        pltpu.async_copy(mean_hbm.at[idx_v], mg_v, sem).wait()
        pltpu.async_copy(std_hbm.at[idx_v], sg_v, sem).wait()
        for g in range(8):
            p_v[pl.ds(g * 16, 16)] = mg_v[pl.ds(g * 16, 16)]
            p_v[pl.ds(128 + g * 16, 16)] = 1.0 / sg_v[pl.ds(g * 16, 16)]
        pltpu.sync_copy(p_v, out_hbm)


def _sc_gather(t, data_mean, data_std):
    B = t.shape[0]
    k = pl.kernel(
        _sc_gather_body,
        out_type=jax.ShapeDtypeStruct((2 * B,), jnp.float32),
        mesh=plsc.VectorSubcoreMesh(core_axis_name="c", subcore_axis_name="s"),
        scratch_types=[
            pltpu.VMEM((B,), jnp.float32),
            pltpu.VMEM((B,), jnp.int32),
            pltpu.VMEM((B,), jnp.float32),
            pltpu.VMEM((B,), jnp.float32),
            pltpu.VMEM((2 * B,), jnp.float32),
            pltpu.SemaphoreType.DMA,
        ],
    )
    return k(t, data_mean, data_std)


def _norm_body(p_ref, x_hbm, o_hbm, buf, obuf, rsems, wsems):
    F = x_hbm.shape[0]
    S = F // NCHUNK
    for k in range(NCHUNK):
        pltpu.make_async_copy(
            x_hbm.at[pl.ds(k * S, S), :], buf.at[k], rsems.at[k]
        ).start()
    m = p_ref[0:1, :]
    inv = p_ref[1:2, :]
    for k in range(NCHUNK):
        pltpu.make_async_copy(
            x_hbm.at[pl.ds(k * S, S), :], buf.at[k], rsems.at[k]
        ).wait()
        obuf[k] = (buf[k] - m) * inv
        pltpu.make_async_copy(
            obuf.at[k], o_hbm.at[pl.ds(k * S, S), :], wsems.at[k]
        ).start()
    for k in range(NCHUNK):
        pltpu.make_async_copy(
            obuf.at[k], o_hbm.at[pl.ds(k * S, S), :], wsems.at[k]
        ).wait()


def kernel(x_t, t, data_mean, data_std):
    B, C, H, W = x_t.shape
    F = C * H * W
    xv = jnp.transpose(x_t, (1, 2, 3, 0)).reshape(F, B)
    xv = pltpu.with_memory_space_constraint(xv, pltpu.HBM)

    params = _sc_gather(t, data_mean, data_std).reshape(2, B)

    S = F // NCHUNK
    out = pl.pallas_call(
        _norm_body,
        in_specs=[
            pl.BlockSpec((2, B), lambda: (0, 0)),
            pl.BlockSpec(memory_space=pltpu.HBM),
        ],
        out_specs=pl.BlockSpec(memory_space=pltpu.HBM),
        out_shape=jax.ShapeDtypeStruct((F, B), jnp.float32),
        scratch_shapes=[
            pltpu.VMEM((NCHUNK, S, B), jnp.float32),
            pltpu.VMEM((NCHUNK, S, B), jnp.float32),
            pltpu.SemaphoreType.DMA((NCHUNK,)),
            pltpu.SemaphoreType.DMA((NCHUNK,)),
        ],
    )(params, xv)
    return jnp.transpose(out.reshape(C, H, W, B), (3, 0, 1, 2))

# --- scband reference (transcript-rebuilt; emitter-appended) ---
"""Pipeline reference for scband-normalizer-xt-9715216024250 (READ-ONLY COPY).

The authoritative reference and input builder live on the scoring server;
editing this copy changes nothing except your own understanding.
"""

import jax, jax.numpy as jnp
import numpy as np

NUM_BINS = 100


def setup_inputs(seed: int = 0) -> dict:
    key = jax.random.key(seed)
    k1, k2, k3, k4 = jax.random.split(key, 4)
    x_t = jax.random.normal(k1, (128, 4, 64, 64), dtype=jnp.float32)
    t = jax.random.uniform(k2, (128,), dtype=jnp.float32)
    # running-statistic buffers (data_mean, data_std) sized [num_bins]
    data_mean = jax.random.normal(k3, (NUM_BINS,), dtype=jnp.float32) * 0.1
    data_std = jax.random.uniform(k4, (NUM_BINS,), dtype=jnp.float32, minval=0.5, maxval=1.5)
    return {"x_t": x_t, "t": t, "data_mean": data_mean, "data_std": data_std}


def reference(x_t, t, data_mean, data_std):
    # normalize(x_t, t, update=False): bin t into num_bins, gather per-bin
    # mean/std, broadcast over trailing dims, normalize.
    t_bins = jnp.clip((t * NUM_BINS).astype(jnp.int32), 0, NUM_BINS - 1)
    param_shape = (x_t.shape[0],) + (1,) * (x_t.ndim - 1)
    mean_val = jnp.take(data_mean, t_bins, axis=0).reshape(param_shape)
    std_val = jnp.take(data_std, t_bins, axis=0).reshape(param_shape)
    return (x_t - mean_val) / std_val

if __name__ == "__main__":
    import jax
    _d = setup_inputs()
    print(jax.jit(kernel)(*tuple(_d.values())))

</pallas_src>

<mosaic_0001>
#map = affine_map<(d0, d1) -> (0)>
module attributes {stable_mosaic.version = 14 : i64} {
  func.func @_sc_gather_body(%arg0: i32, %arg1: i32, %arg2: memref<128xf32, #tpu.memory_space<hbm>>, %arg3: memref<100xf32, #tpu.memory_space<hbm>>, %arg4: memref<100xf32, #tpu.memory_space<hbm>>, %arg5: memref<256xf32, #tpu.memory_space<hbm>>, %arg6: memref<128xf32, #tpu.memory_space<vmem>>, %arg7: memref<128xi32, #tpu.memory_space<vmem>>, %arg8: memref<128xf32, #tpu.memory_space<vmem>>, %arg9: memref<128xf32, #tpu.memory_space<vmem>>, %arg10: memref<256xf32, #tpu.memory_space<vmem>>, %arg11: memref<!tpu.dma_semaphore, #tpu.memory_space<semaphore_mem>>) attributes {dimension_semantics = [#tpu.dimension_semantics<core_parallel>, #tpu.dimension_semantics<subcore_parallel>], iteration_bounds = array<i64: 2, 16>, scalar_prefetch = 0 : i64, scratch_operands = 6 : i64, tpu.core_type = #tpu.core_type<sc_vector_subcore>, window_params = [{transform_indices = #map}, {transform_indices = #map}, {transform_indices = #map}, {transform_indices = #map}]} {
    %eq3A = arith.constant 0 : i32
    %eq3A_0 = arith.cmpi eq, %arg0, %eq3A : i32
    %eq3A_1 = arith.constant 0 : i32
    %eq3A_2 = arith.cmpi eq, %arg1, %eq3A_1 : i32
    %and3A = arith.andi %eq3A_0, %eq3A_2 : i1
    %convert_element_type3A = arith.extui %and3A : i1 to i32
    %cond3A = arith.constant 0 : i32
    %cond3A_3 = arith.cmpi ne, %convert_element_type3A, %cond3A : i32
    scf.if %cond3A_3 {
      "tpu.region"() ({
        %run_scoped3A = tpu.sem_alloc : memref<!tpu.dma_semaphore, #tpu.memory_space<semaphore_mem>>
        tpu.enqueue_dma source(%arg2 : memref<128xf32, #tpu.memory_space<hbm>>) target(%arg6 : memref<128xf32, #tpu.memory_space<vmem>>) target_semaphore(%run_scoped3A : memref<!tpu.dma_semaphore, #tpu.memory_space<semaphore_mem>>)
        tpu.wait_dma2 semaphore(%run_scoped3A : memref<!tpu.dma_semaphore, #tpu.memory_space<semaphore_mem>>) src(%arg2 : memref<128xf32, #tpu.memory_space<hbm>>) dst(%arg6 : memref<128xf32, #tpu.memory_space<vmem>>)
        tpu.yield
      }) : () -> ()
      %get3A = arith.constant 0 : index
      %get3A_4 = tpu.vector_load %arg6[%get3A] {strides = array<i32>} : memref<128xf32, #tpu.memory_space<vmem>>, vector<16xf32>,
      %get3A_5 = vector.shape_cast %get3A_4 : vector<16xf32> to vector<16xf32>
      %mul3A = arith.constant 1.000000e+02 : f32
      %mul3A_6 = vector.broadcast %mul3A : f32 to vector<16xf32>
      %mul3A_7 = arith.mulf %get3A_5, %mul3A_6 : vector<16xf32>
      %convert_element_type3A_8 = arith.fptosi %mul3A_7 : vector<16xf32> to vector<16xi32>
      %jit3A = arith.constant 0 : i32
      %jit3A_9 = arith.constant 99 : i32
      %max3A = vector.broadcast %jit3A : i32 to vector<16xi32>
      %max3A_10 = arith.maxsi %max3A, %convert_element_type3A_8 : vector<16xi32>
      %min3A = vector.broadcast %jit3A_9 : i32 to vector<16xi32>
      %min3A_11 = arith.minsi %min3A, %max3A_10 : vector<16xi32>
      %swap3A = arith.constant 0 : index
      %swap3A_12 = tpu.vector_load %arg7[%swap3A] {strides = array<i32>} : memref<128xi32, #tpu.memory_space<vmem>>, vector<16xi32>,
      %swap3A_13 = vector.shape_cast %swap3A_12 : vector<16xi32> to vector<16xi32>
      %swap3A_14 = vector.shape_cast %min3A_11 : vector<16xi32> to vector<16xi32>
      tpu.vector_store %arg7[%swap3A], %swap3A_14 {strides = array<i32>} : memref<128xi32, #tpu.memory_space<vmem>>, vector<16xi32>,
      %get3A_15 = arith.constant 16 : index
      %get3A_16 = tpu.vector_load %arg6[%get3A_15] {strides = array<i32>} : memref<128xf32, #tpu.memory_space<vmem>>, vector<16xf32>,
      %get3A_17 = vector.shape_cast %get3A_16 : vector<16xf32> to vector<16xf32>
      %mul3A_18 = arith.constant 1.000000e+02 : f32
      %mul3A_19 = vector.broadcast %mul3A_18 : f32 to vector<16xf32>
      %mul3A_20 = arith.mulf %get3A_17, %mul3A_19 : vector<16xf32>
      %convert_element_type3A_21 = arith.fptosi %mul3A_20 : vector<16xf32> to vector<16xi32>
      %jit3A_22 = arith.constant 0 : i32
      %jit3A_23 = arith.constant 99 : i32
      %max3A_24 = vector.broadcast %jit3A_22 : i32 to vector<16xi32>
      %max3A_25 = arith.maxsi %max3A_24, %convert_element_type3A_21 : vector<16xi32>
      %min3A_26 = vector.broadcast %jit3A_23 : i32 to vector<16xi32>
      %min3A_27 = arith.minsi %min3A_26, %max3A_25 : vector<16xi32>
      %swap3A_28 = arith.constant 16 : index
      %swap3A_29 = tpu.vector_load %arg7[%swap3A_28] {strides = array<i32>} : memref<128xi32, #tpu.memory_space<vmem>>, vector<16xi32>,
      %swap3A_30 = vector.shape_cast %swap3A_29 : vector<16xi32> to vector<16xi32>
      %swap3A_31 = vector.shape_cast %min3A_27 : vector<16xi32> to vector<16xi32>
      tpu.vector_store %arg7[%swap3A_28], %swap3A_31 {strides = array<i32>} : memref<128xi32, #tpu.memory_space<vmem>>, vector<16xi32>,
      %get3A_32 = arith.constant 32 : index
      %get3A_33 = tpu.vector_load %arg6[%get3A_32] {strides = array<i32>} : memref<128xf32, #tpu.memory_space<vmem>>, vector<16xf32>,
      %get3A_34 = vector.shape_cast %get3A_33 : vector<16xf32> to vector<16xf32>
      %mul3A_35 = arith.constant 1.000000e+02 : f32
      %mul3A_36 = vector.broadcast %mul3A_35 : f32 to vector<16xf32>
      %mul3A_37 = arith.mulf %get3A_34, %mul3A_36 : vector<16xf32>
      %convert_element_type3A_38 = arith.fptosi %mul3A_37 : vector<16xf32> to vector<16xi32>
      %jit3A_39 = arith.constant 0 : i32
      %jit3A_40 = arith.constant 99 : i32
      %max3A_41 = vector.broadcast %jit3A_39 : i32 to vector<16xi32>
      %max3A_42 = arith.maxsi %max3A_41, %convert_element_type3A_38 : vector<16xi32>
      %min3A_43 = vector.broadcast %jit3A_40 : i32 to vector<16xi32>
      %min3A_44 = arith.minsi %min3A_43, %max3A_42 : vector<16xi32>
      %swap3A_45 = arith.constant 32 : index
      %swap3A_46 = tpu.vector_load %arg7[%swap3A_45] {strides = array<i32>} : memref<128xi32, #tpu.memory_space<vmem>>, vector<16xi32>,
      %swap3A_47 = vector.shape_cast %swap3A_46 : vector<16xi32> to vector<16xi32>
      %swap3A_48 = vector.shape_cast %min3A_44 : vector<16xi32> to vector<16xi32>
      tpu.vector_store %arg7[%swap3A_45], %swap3A_48 {strides = array<i32>} : memref<128xi32, #tpu.memory_space<vmem>>, vector<16xi32>,
      %get3A_49 = arith.constant 48 : index
      %get3A_50 = tpu.vector_load %arg6[%get3A_49] {strides = array<i32>} : memref<128xf32, #tpu.memory_space<vmem>>, vector<16xf32>,
      %get3A_51 = vector.shape_cast %get3A_50 : vector<16xf32> to vector<16xf32>
      %mul3A_52 = arith.constant 1.000000e+02 : f32
      %mul3A_53 = vector.broadcast %mul3A_52 : f32 to vector<16xf32>
      %mul3A_54 = arith.mulf %get3A_51, %mul3A_53 : vector<16xf32>
      %convert_element_type3A_55 = arith.fptosi %mul3A_54 : vector<16xf32> to vector<16xi32>
      %jit3A_56 = arith.constant 0 : i32
      %jit3A_57 = arith.constant 99 : i32
      %max3A_58 = vector.broadcast %jit3A_56 : i32 to vector<16xi32>
      %max3A_59 = arith.maxsi %max3A_58, %convert_element_type3A_55 : vector<16xi32>
      %min3A_60 = vector.broadcast %jit3A_57 : i32 to vector<16xi32>
      %min3A_61 = arith.minsi %min3A_60, %max3A_59 : vector<16xi32>
      %swap3A_62 = arith.constant 48 : index
      %swap3A_63 = tpu.vector_load %arg7[%swap3A_62] {strides = array<i32>} : memref<128xi32, #tpu.memory_space<vmem>>, vector<16xi32>,
      %swap3A_64 = vector.shape_cast %swap3A_63 : vector<16xi32> to vector<16xi32>
      %swap3A_65 = vector.shape_cast %min3A_61 : vector<16xi32> to vector<16xi32>
      tpu.vector_store %arg7[%swap3A_62], %swap3A_65 {strides = array<i32>} : memref<128xi32, #tpu.memory_space<vmem>>, vector<16xi32>,
      %get3A_66 = arith.constant 64 : index
      %get3A_67 = tpu.vector_load %arg6[%get3A_66] {strides = array<i32>} : memref<128xf32, #tpu.memory_space<vmem>>, vector<16xf32>,
      %get3A_68 = vector.shape_cast %get3A_67 : vector<16xf32> to vector<16xf32>
      %mul3A_69 = arith.constant 1.000000e+02 : f32
      %mul3A_70 = vector.broadcast %mul3A_69 : f32 to vector<16xf32>
      %mul3A_71 = arith.mulf %get3A_68, %mul3A_70 : vector<16xf32>
      %convert_element_type3A_72 = arith.fptosi %mul3A_71 : vector<16xf32> to vector<16xi32>
      %jit3A_73 = arith.constant 0 : i32
      %jit3A_74 = arith.constant 99 : i32
      %max3A_75 = vector.broadcast %jit3A_73 : i32 to vector<16xi32>
      %max3A_76 = arith.maxsi %max3A_75, %convert_element_type3A_72 : vector<16xi32>
      %min3A_77 = vector.broadcast %jit3A_74 : i32 to vector<16xi32>
      %min3A_78 = arith.minsi %min3A_77, %max3A_76 : vector<16xi32>
      %swap3A_79 = arith.constant 64 : index
      %swap3A_80 = tpu.vector_load %arg7[%swap3A_79] {strides = array<i32>} : memref<128xi32, #tpu.memory_space<vmem>>, vector<16xi32>,
      %swap3A_81 = vector.shape_cast %swap3A_80 : vector<16xi32> to vector<16xi32>
      %swap3A_82 = vector.shape_cast %min3A_78 : vector<16xi32> to vector<16xi32>
      tpu.vector_store %arg7[%swap3A_79], %swap3A_82 {strides = array<i32>} : memref<128xi32, #tpu.memory_space<vmem>>, vector<16xi32>,
      %get3A_83 = arith.constant 80 : index
      %get3A_84 = tpu.vector_load %arg6[%get3A_83] {strides = array<i32>} : memref<128xf32, #tpu.memory_space<vmem>>, vector<16xf32>,
      %get3A_85 = vector.shape_cast %get3A_84 : vector<16xf32> to vector<16xf32>
      %mul3A_86 = arith.constant 1.000000e+02 : f32
      %mul3A_87 = vector.broadcast %mul3A_86 : f32 to vector<16xf32>
      %mul3A_88 = arith.mulf %get3A_85, %mul3A_87 : vector<16xf32>
      %convert_element_type3A_89 = arith.fptosi %mul3A_88 : vector<16xf32> to vector<16xi32>
      %jit3A_90 = arith.constant 0 : i32
      %jit3A_91 = arith.constant 99 : i32
      %max3A_92 = vector.broadcast %jit3A_90 : i32 to vector<16xi32>
      %max3A_93 = arith.maxsi %max3A_92, %convert_element_type3A_89 : vector<16xi32>
      %min3A_94 = vector.broadcast %jit3A_91 : i32 to vector<16xi32>
      %min3A_95 = arith.minsi %min3A_94, %max3A_93 : vector<16xi32>
      %swap3A_96 = arith.constant 80 : index
      %swap3A_97 = tpu.vector_load %arg7[%swap3A_96] {strides = array<i32>} : memref<128xi32, #tpu.memory_space<vmem>>, vector<16xi32>,
      %swap3A_98 = vector.shape_cast %swap3A_97 : vector<16xi32> to vector<16xi32>
      %swap3A_99 = vector.shape_cast %min3A_95 : vector<16xi32> to vector<16xi32>
      tpu.vector_store %arg7[%swap3A_96], %swap3A_99 {strides = array<i32>} : memref<128xi32, #tpu.memory_space<vmem>>, vector<16xi32>,
      %get3A_100 = arith.constant 96 : index
      %get3A_101 = tpu.vector_load %arg6[%get3A_100] {strides = array<i32>} : memref<128xf32, #tpu.memory_space<vmem>>, vector<16xf32>,
      %get3A_102 = vector.shape_cast %get3A_101 : vector<16xf32> to vector<16xf32>
      %mul3A_103 = arith.constant 1.000000e+02 : f32
      %mul3A_104 = vector.broadcast %mul3A_103 : f32 to vector<16xf32>
      %mul3A_105 = arith.mulf %get3A_102, %mul3A_104 : vector<16xf32>
      %convert_element_type3A_106 = arith.fptosi %mul3A_105 : vector<16xf32> to vector<16xi32>
      %jit3A_107 = arith.constant 0 : i32
      %jit3A_108 = arith.constant 99 : i32
      %max3A_109 = vector.broadcast %jit3A_107 : i32 to vector<16xi32>
      %max3A_110 = arith.maxsi %max3A_109, %convert_element_type3A_106 : vector<16xi32>
      %min3A_111 = vector.broadcast %jit3A_108 : i32 to vector<16xi32>
      %min3A_112 = arith.minsi %min3A_111, %max3A_110 : vector<16xi32>
      %swap3A_113 = arith.constant 96 : index
      %swap3A_114 = tpu.vector_load %arg7[%swap3A_113] {strides = array<i32>} : memref<128xi32, #tpu.memory_space<vmem>>, vector<16xi32>,
      %swap3A_115 = vector.shape_cast %swap3A_114 : vector<16xi32> to vector<16xi32>
      %swap3A_116 = vector.shape_cast %min3A_112 : vector<16xi32> to vector<16xi32>
      tpu.vector_store %arg7[%swap3A_113], %swap3A_116 {strides = array<i32>} : memref<128xi32, #tpu.memory_space<vmem>>, vector<16xi32>,
      %get3A_117 = arith.constant 112 : index
      %get3A_118 = tpu.vector_load %arg6[%get3A_117] {strides = array<i32>} : memref<128xf32, #tpu.memory_space<vmem>>, vector<16xf32>,
      %get3A_119 = vector.shape_cast %get3A_118 : vector<16xf32> to vector<16xf32>
      %mul3A_120 = arith.constant 1.000000e+02 : f32
      %mul3A_121 = vector.broadcast %mul3A_120 : f32 to vector<16xf32>
      %mul3A_122 = arith.mulf %get3A_119, %mul3A_121 : vector<16xf32>
      %convert_element_type3A_123 = arith.fptosi %mul3A_122 : vector<16xf32> to vector<16xi32>
      %jit3A_124 = arith.constant 0 : i32
      %jit3A_125 = arith.constant 99 : i32
      %max3A_126 = vector.broadcast %jit3A_124 : i32 to vector<16xi32>
      %max3A_127 = arith.maxsi %max3A_126, %convert_element_type3A_123 : vector<16xi32>
      %min3A_128 = vector.broadcast %jit3A_125 : i32 to vector<16xi32>
      %min3A_129 = arith.minsi %min3A_128, %max3A_127 : vector<16xi32>
      %swap3A_130 = arith.constant 112 : index
      %swap3A_131 = tpu.vector_load %arg7[%swap3A_130] {strides = array<i32>} : memref<128xi32, #tpu.memory_space<vmem>>, vector<16xi32>,
      %swap3A_132 = vector.shape_cast %swap3A_131 : vector<16xi32> to vector<16xi32>
      %swap3A_133 = vector.shape_cast %min3A_129 : vector<16xi32> to vector<16xi32>
      tpu.vector_store %arg7[%swap3A_130], %swap3A_133 {strides = array<i32>} : memref<128xi32, #tpu.memory_space<vmem>>, vector<16xi32>,
      %dma_start3A = arith.constant 0 : i32
      %dma_start3A_134 = tpu.memref_slice %arg3[%dma_start3A] : memref<100xf32, #tpu.memory_space<hbm>> -> memref<100xf32, #tpu.memory_space<hbm>>
      tpu.enqueue_indirect_dma source(%dma_start3A_134 : memref<100xf32, #tpu.memory_space<hbm>>) target(%arg8 : memref<128xf32, #tpu.memory_space<vmem>>) offsets(%arg7 : memref<128xi32, #tpu.memory_space<vmem>>) semaphore(%arg11 : memref<!tpu.dma_semaphore, #tpu.memory_space<semaphore_mem>>)
      %dma_wait3A = arith.constant 0 : i32
      %dma_wait3A_135 = tpu.memref_slice %arg3[%dma_wait3A] : memref<100xf32, #tpu.memory_space<hbm>> -> memref<100xf32, #tpu.memory_space<hbm>>
      tpu.wait_indirect_dma semaphore(%arg11 : memref<!tpu.dma_semaphore, #tpu.memory_space<semaphore_mem>>) src(%dma_wait3A_135 : memref<100xf32, #tpu.memory_space<hbm>>) dst(%arg8 : memref<128xf32, #tpu.memory_space<vmem>>)
      %dma_start3A_136 = arith.constant 0 : i32
      %dma_start3A_137 = tpu.memref_slice %arg4[%dma_start3A_136] : memref<100xf32, #tpu.memory_space<hbm>> -> memref<100xf32, #tpu.memory_space<hbm>>
      tpu.enqueue_indirect_dma source(%dma_start3A_137 : memref<100xf32, #tpu.memory_space<hbm>>) target(%arg9 : memref<128xf32, #tpu.memory_space<vmem>>) offsets(%arg7 : memref<128xi32, #tpu.memory_space<vmem>>) semaphore(%arg11 : memref<!tpu.dma_semaphore, #tpu.memory_space<semaphore_mem>>)
      %dma_wait3A_138 = arith.constant 0 : i32
      %dma_wait3A_139 = tpu.memref_slice %arg4[%dma_wait3A_138] : memref<100xf32, #tpu.memory_space<hbm>> -> memref<100xf32, #tpu.memory_space<hbm>>
      tpu.wait_indirect_dma semaphore(%arg11 : memref<!tpu.dma_semaphore, #tpu.memory_space<semaphore_mem>>) src(%dma_wait3A_139 : memref<100xf32, #tpu.memory_space<hbm>>) dst(%arg9 : memref<128xf32, #tpu.memory_space<vmem>>)
      %get3A_140 = arith.constant 0 : index
      %get3A_141 = tpu.vector_load %arg8[%get3A_140] {strides = array<i32>} : memref<128xf32, #tpu.memory_space<vmem>>, vector<16xf32>,
      %get3A_142 = vector.shape_cast %get3A_141 : vector<16xf32> to vector<16xf32>
      %swap3A_143 = arith.constant 0 : index
      %swap3A_144 = tpu.vector_load %arg10[%swap3A_143] {strides = array<i32>} : memref<256xf32, #tpu.memory_space<vmem>>, vector<16xf32>,
      %swap3A_145 = vector.shape_cast %swap3A_144 : vector<16xf32> to vector<16xf32>
      %swap3A_146 = vector.shape_cast %get3A_142 : vector<16xf32> to vector<16xf32>
      tpu.vector_store %arg10[%swap3A_143], %swap3A_146 {strides = array<i32>} : memref<256xf32, #tpu.memory_space<vmem>>, vector<16xf32>,
      %get3A_147 = arith.constant 0 : index
      %get3A_148 = tpu.vector_load %arg9[%get3A_147] {strides = array<i32>} : memref<128xf32, #tpu.memory_space<vmem>>, vector<16xf32>,
      %get3A_149 = vector.shape_cast %get3A_148 : vector<16xf32> to vector<16xf32>
      %div3A = arith.constant 1.000000e+00 : f32
      %div3A_150 = vector.broadcast %div3A : f32 to vector<16xf32>
      %div3A_151 = arith.divf %div3A_150, %get3A_149 : vector<16xf32>
      %swap3A_152 = arith.constant 128 : index
      %swap3A_153 = tpu.vector_load %arg10[%swap3A_152] {strides = array<i32>} : memref<256xf32, #tpu.memory_space<vmem>>, vector<16xf32>,
      %swap3A_154 = vector.shape_cast %swap3A_153 : vector<16xf32> to vector<16xf32>
      %swap3A_155 = vector.shape_cast %div3A_151 : vector<16xf32> to vector<16xf32>
      tpu.vector_store %arg10[%swap3A_152], %swap3A_155 {strides = array<i32>} : memref<256xf32, #tpu.memory_space<vmem>>, vector<16xf32>,
      %get3A_156 = arith.constant 16 : index
      %get3A_157 = tpu.vector_load %arg8[%get3A_156] {strides = array<i32>} : memref<128xf32, #tpu.memory_space<vmem>>, vector<16xf32>,
      %get3A_158 = vector.shape_cast %get3A_157 : vector<16xf32> to vector<16xf32>
      %swap3A_159 = arith.constant 16 : index
      %swap3A_160 = tpu.vector_load %arg10[%swap3A_159] {strides = array<i32>} : memref<256xf32, #tpu.memory_space<vmem>>, vector<16xf32>,
      %swap3A_161 = vector.shape_cast %swap3A_160 : vector<16xf32> to vector<16xf32>
      %swap3A_162 = vector.shape_cast %get3A_158 : vector<16xf32> to vector<16xf32>
      tpu.vector_store %arg10[%swap3A_159], %swap3A_162 {strides = array<i32>} : memref<256xf32, #tpu.memory_space<vmem>>, vector<16xf32>,
      %get3A_163 = arith.constant 16 : index
      %get3A_164 = tpu.vector_load %arg9[%get3A_163] {strides = array<i32>} : memref<128xf32, #tpu.memory_space<vmem>>, vector<16xf32>,
      %get3A_165 = vector.shape_cast %get3A_164 : vector<16xf32> to vector<16xf32>
      %div3A_166 = arith.constant 1.000000e+00 : f32
      %div3A_167 = vector.broadcast %div3A_166 : f32 to vector<16xf32>
      %div3A_168 = arith.divf %div3A_167, %get3A_165 : vector<16xf32>
      %swap3A_169 = arith.constant 144 : index
      %swap3A_170 = tpu.vector_load %arg10[%swap3A_169] {strides = array<i32>} : memref<256xf32, #tpu.memory_space<vmem>>, vector<16xf32>,
      %swap3A_171 = vector.shape_cast %swap3A_170 : vector<16xf32> to vector<16xf32>
      %swap3A_172 = vector.shape_cast %div3A_168 : vector<16xf32> to vector<16xf32>
      tpu.vector_store %arg10[%swap3A_169], %swap3A_172 {strides = array<i32>} : memref<256xf32, #tpu.memory_space<vmem>>, vector<16xf32>,
      %get3A_173 = arith.constant 32 : index
      %get3A_174 = tpu.vector_load %arg8[%get3A_173] {strides = array<i32>} : memref<128xf32, #tpu.memory_space<vmem>>, vector<16xf32>,
      %get3A_175 = vector.shape_cast %get3A_174 : vector<16xf32> to vector<16xf32>
      %swap3A_176 = arith.constant 32 : index
      %swap3A_177 = tpu.vector_load %arg10[%swap3A_176] {strides = array<i32>} : memref<256xf32, #tpu.memory_space<vmem>>, vector<16xf32>,
      %swap3A_178 = vector.shape_cast %swap3A_177 : vector<16xf32> to vector<16xf32>
      %swap3A_179 = vector.shape_cast %get3A_175 : vector<16xf32> to vector<16xf32>
      tpu.vector_store %arg10[%swap3A_176], %swap3A_179 {strides = array<i32>} : memref<256xf32, #tpu.memory_space<vmem>>, vector<16xf32>,
      %get3A_180 = arith.constant 32 : index
      %get3A_181 = tpu.vector_load %arg9[%get3A_180] {strides = array<i32>} : memref<128xf32, #tpu.memory_space<vmem>>, vector<16xf32>,
      %get3A_182 = vector.shape_cast %get3A_181 : vector<16xf32> to vector<16xf32>
      %div3A_183 = arith.constant 1.000000e+00 : f32
      %div3A_184 = vector.broadcast %div3A_183 : f32 to vector<16xf32>
      %div3A_185 = arith.divf %div3A_184, %get3A_182 : vector<16xf32>
      %swap3A_186 = arith.constant 160 : index
      %swap3A_187 = tpu.vector_load %arg10[%swap3A_186] {strides = array<i32>} : memref<256xf32, #tpu.memory_space<vmem>>, vector<16xf32>,
      %swap3A_188 = vector.shape_cast %swap3A_187 : vector<16xf32> to vector<16xf32>
      %swap3A_189 = vector.shape_cast %div3A_185 : vector<16xf32> to vector<16xf32>
      tpu.vector_store %arg10[%swap3A_186], %swap3A_189 {strides = array<i32>} : memref<256xf32, #tpu.memory_space<vmem>>, vector<16xf32>,
      %get3A_190 = arith.constant 48 : index
      %get3A_191 = tpu.vector_load %arg8[%get3A_190] {strides = array<i32>} : memref<128xf32, #tpu.memory_space<vmem>>, vector<16xf32>,
      %get3A_192 = vector.shape_cast %get3A_191 : vector<16xf32> to vector<16xf32>
      %swap3A_193 = arith.constant 48 : index
      %swap3A_194 = tpu.vector_load %arg10[%swap3A_193] {strides = array<i32>} : memref<256xf32, #tpu.memory_space<vmem>>, vector<16xf32>,
      %swap3A_195 = vector.shape_cast %swap3A_194 : vector<16xf32> to vector<16xf32>
      %swap3A_196 = vector.shape_cast %get3A_192 : vector<16xf32> to vector<16xf32>
      tpu.vector_store %arg10[%swap3A_193], %swap3A_196 {strides = array<i32>} : memref<256xf32, #tpu.memory_space<vmem>>, vector<16xf32>,
      %get3A_197 = arith.constant 48 : index
      %get3A_198 = tpu.vector_load %arg9[%get3A_197] {strides = array<i32>} : memref<128xf32, #tpu.memory_space<vmem>>, vector<16xf32>,
      %get3A_199 = vector.shape_cast %get3A_198 : vector<16xf32> to vector<16xf32>
      %div3A_200 = arith.constant 1.000000e+00 : f32
      %div3A_201 = vector.broadcast %div3A_200 : f32 to vector<16xf32>
      %div3A_202 = arith.divf %div3A_201, %get3A_199 : vector<16xf32>
      %swap3A_203 = arith.constant 176 : index
      %swap3A_204 = tpu.vector_load %arg10[%swap3A_203] {strides = array<i32>} : memref<256xf32, #tpu.memory_space<vmem>>, vector<16xf32>,
      %swap3A_205 = vector.shape_cast %swap3A_204 : vector<16xf32> to vector<16xf32>
      %swap3A_206 = vector.shape_cast %div3A_202 : vector<16xf32> to vector<16xf32>
      tpu.vector_store %arg10[%swap3A_203], %swap3A_206 {strides = array<i32>} : memref<256xf32, #tpu.memory_space<vmem>>, vector<16xf32>,
      %get3A_207 = arith.constant 64 : index
      %get3A_208 = tpu.vector_load %arg8[%get3A_207] {strides = array<i32>} : memref<128xf32, #tpu.memory_space<vmem>>, vector<16xf32>,
      %get3A_209 = vector.shape_cast %get3A_208 : vector<16xf32> to vector<16xf32>
      %swap3A_210 = arith.constant 64 : index
      %swap3A_211 = tpu.vector_load %arg10[%swap3A_210] {strides = array<i32>} : memref<256xf32, #tpu.memory_space<vmem>>, vector<16xf32>,
      %swap3A_212 = vector.shape_cast %swap3A_211 : vector<16xf32> to vector<16xf32>
      %swap3A_213 = vector.shape_cast %get3A_209 : vector<16xf32> to vector<16xf32>
      tpu.vector_store %arg10[%swap3A_210], %swap3A_213 {strides = array<i32>} : memref<256xf32, #tpu.memory_space<vmem>>, vector<16xf32>,
      %get3A_214 = arith.constant 64 : index
      %get3A_215 = tpu.vector_load %arg9[%get3A_214] {strides = array<i32>} : memref<128xf32, #tpu.memory_space<vmem>>, vector<16xf32>,
      %get3A_216 = vector.shape_cast %get3A_215 : vector<16xf32> to vector<16xf32>
      %div3A_217 = arith.constant 1.000000e+00 : f32
      %div3A_218 = vector.broadcast %div3A_217 : f32 to vector<16xf32>
      %div3A_219 = arith.divf %div3A_218, %get3A_216 : vector<16xf32>
      %swap3A_220 = arith.constant 192 : index
      %swap3A_221 = tpu.vector_load %arg10[%swap3A_220] {strides = array<i32>} : memref<256xf32, #tpu.memory_space<vmem>>, vector<16xf32>,
      %swap3A_222 = vector.shape_cast %swap3A_221 : vector<16xf32> to vector<16xf32>
      %swap3A_223 = vector.shape_cast %div3A_219 : vector<16xf32> to vector<16xf32>
      tpu.vector_store %arg10[%swap3A_220], %swap3A_223 {strides = array<i32>} : memref<256xf32, #tpu.memory_space<vmem>>, vector<16xf32>,
      %get3A_224 = arith.constant 80 : index
      %get3A_225 = tpu.vector_load %arg8[%get3A_224] {strides = array<i32>} : memref<128xf32, #tpu.memory_space<vmem>>, vector<16xf32>,
      %get3A_226 = vector.shape_cast %get3A_225 : vector<16xf32> to vector<16xf32>
      %swap3A_227 = arith.constant 80 : index
      %swap3A_228 = tpu.vector_load %arg10[%swap3A_227] {strides = array<i32>} : memref<256xf32, #tpu.memory_space<vmem>>, vector<16xf32>,
      %swap3A_229 = vector.shape_cast %swap3A_228 : vector<16xf32> to vector<16xf32>
      %swap3A_230 = vector.shape_cast %get3A_226 : vector<16xf32> to vector<16xf32>
      tpu.vector_store %arg10[%swap3A_227], %swap3A_230 {strides = array<i32>} : memref<256xf32, #tpu.memory_space<vmem>>, vector<16xf32>,
      %get3A_231 = arith.constant 80 : index
      %get3A_232 = tpu.vector_load %arg9[%get3A_231] {strides = array<i32>} : memref<128xf32, #tpu.memory_space<vmem>>, vector<16xf32>,
      %get3A_233 = vector.shape_cast %get3A_232 : vector<16xf32> to vector<16xf32>
      %div3A_234 = arith.constant 1.000000e+00 : f32
      %div3A_235 = vector.broadcast %div3A_234 : f32 to vector<16xf32>
      %div3A_236 = arith.divf %div3A_235, %get3A_233 : vector<16xf32>
      %swap3A_237 = arith.constant 208 : index
      %swap3A_238 = tpu.vector_load %arg10[%swap3A_237] {strides = array<i32>} : memref<256xf32, #tpu.memory_space<vmem>>, vector<16xf32>,
      %swap3A_239 = vector.shape_cast %swap3A_238 : vector<16xf32> to vector<16xf32>
      %swap3A_240 = vector.shape_cast %div3A_236 : vector<16xf32> to vector<16xf32>
      tpu.vector_store %arg10[%swap3A_237], %swap3A_240 {strides = array<i32>} : memref<256xf32, #tpu.memory_space<vmem>>, vector<16xf32>,
      %get3A_241 = arith.constant 96 : index
      %get3A_242 = tpu.vector_load %arg8[%get3A_241] {strides = array<i32>} : memref<128xf32, #tpu.memory_space<vmem>>, vector<16xf32>,
      %get3A_243 = vector.shape_cast %get3A_242 : vector<16xf32> to vector<16xf32>
      %swap3A_244 = arith.constant 96 : index
      %swap3A_245 = tpu.vector_load %arg10[%swap3A_244] {strides = array<i32>} : memref<256xf32, #tpu.memory_space<vmem>>, vector<16xf32>,
      %swap3A_246 = vector.shape_cast %swap3A_245 : vector<16xf32> to vector<16xf32>
      %swap3A_247 = vector.shape_cast %get3A_243 : vector<16xf32> to vector<16xf32>
      tpu.vector_store %arg10[%swap3A_244], %swap3A_247 {strides = array<i32>} : memref<256xf32, #tpu.memory_space<vmem>>, vector<16xf32>,
      %get3A_248 = arith.constant 96 : index
      %get3A_249 = tpu.vector_load %arg9[%get3A_248] {strides = array<i32>} : memref<128xf32, #tpu.memory_space<vmem>>, vector<16xf32>,
      %get3A_250 = vector.shape_cast %get3A_249 : vector<16xf32> to vector<16xf32>
      %div3A_251 = arith.constant 1.000000e+00 : f32
      %div3A_252 = vector.broadcast %div3A_251 : f32 to vector<16xf32>
      %div3A_253 = arith.divf %div3A_252, %get3A_250 : vector<16xf32>
      %swap3A_254 = arith.constant 224 : index
      %swap3A_255 = tpu.vector_load %arg10[%swap3A_254] {strides = array<i32>} : memref<256xf32, #tpu.memory_space<vmem>>, vector<16xf32>,
      %swap3A_256 = vector.shape_cast %swap3A_255 : vector<16xf32> to vector<16xf32>
      %swap3A_257 = vector.shape_cast %div3A_253 : vector<16xf32> to vector<16xf32>
      tpu.vector_store %arg10[%swap3A_254], %swap3A_257 {strides = array<i32>} : memref<256xf32, #tpu.memory_space<vmem>>, vector<16xf32>,
      %get3A_258 = arith.constant 112 : index
      %get3A_259 = tpu.vector_load %arg8[%get3A_258] {strides = array<i32>} : memref<128xf32, #tpu.memory_space<vmem>>, vector<16xf32>,
      %get3A_260 = vector.shape_cast %get3A_259 : vector<16xf32> to vector<16xf32>
      %swap3A_261 = arith.constant 112 : index
      %swap3A_262 = tpu.vector_load %arg10[%swap3A_261] {strides = array<i32>} : memref<256xf32, #tpu.memory_space<vmem>>, vector<16xf32>,
      %swap3A_263 = vector.shape_cast %swap3A_262 : vector<16xf32> to vector<16xf32>
      %swap3A_264 = vector.shape_cast %get3A_260 : vector<16xf32> to vector<16xf32>
      tpu.vector_store %arg10[%swap3A_261], %swap3A_264 {strides = array<i32>} : memref<256xf32, #tpu.memory_space<vmem>>, vector<16xf32>,
      %get3A_265 = arith.constant 112 : index
      %get3A_266 = tpu.vector_load %arg9[%get3A_265] {strides = array<i32>} : memref<128xf32, #tpu.memory_space<vmem>>, vector<16xf32>,
      %get3A_267 = vector.shape_cast %get3A_266 : vector<16xf32> to vector<16xf32>
      %div3A_268 = arith.constant 1.000000e+00 : f32
      %div3A_269 = vector.broadcast %div3A_268 : f32 to vector<16xf32>
      %div3A_270 = arith.divf %div3A_269, %get3A_267 : vector<16xf32>
      %swap3A_271 = arith.constant 240 : index
      %swap3A_272 = tpu.vector_load %arg10[%swap3A_271] {strides = array<i32>} : memref<256xf32, #tpu.memory_space<vmem>>, vector<16xf32>,
      %swap3A_273 = vector.shape_cast %swap3A_272 : vector<16xf32> to vector<16xf32>
      %swap3A_274 = vector.shape_cast %div3A_270 : vector<16xf32> to vector<16xf32>
      tpu.vector_store %arg10[%swap3A_271], %swap3A_274 {strides = array<i32>} : memref<256xf32, #tpu.memory_space<vmem>>, vector<16xf32>,
      "tpu.region"() ({
        %run_scoped3A = tpu.sem_alloc : memref<!tpu.dma_semaphore, #tpu.memory_space<semaphore_mem>>
        tpu.enqueue_dma source(%arg10 : memref<256xf32, #tpu.memory_space<vmem>>) target(%arg5 : memref<256xf32, #tpu.memory_space<hbm>>) target_semaphore(%run_scoped3A : memref<!tpu.dma_semaphore, #tpu.memory_space<semaphore_mem>>)
        tpu.wait_dma2 semaphore(%run_scoped3A : memref<!tpu.dma_semaphore, #tpu.memory_space<semaphore_mem>>) src(%arg10 : memref<256xf32, #tpu.memory_space<vmem>>) dst(%arg5 : memref<256xf32, #tpu.memory_space<hbm>>)
        tpu.yield
      }) : () -> ()
    } else {
    }
    return
  }
}

module attributes {stable_mosaic.version = 14 : i64} {
  func.func @_norm_body(%arg0: memref<2x128xf32, #tpu.memory_space<vmem>>, %arg1: memref<16384x128xf32, #tpu.memory_space<hbm>>, %arg2: memref<16384x128xf32, #tpu.memory_space<hbm>>, %arg3: memref<4x4096x128xf32, #tpu.memory_space<vmem>>, %arg4: memref<4x4096x128xf32, #tpu.memory_space<vmem>>, %arg5: memref<4x!tpu.dma_semaphore, #tpu.memory_space<semaphore_mem>>, %arg6: memref<4x!tpu.dma_semaphore, #tpu.memory_space<semaphore_mem>>) attributes {dimension_semantics = [], scalar_prefetch = 0 : i64, scratch_operands = 4 : i64, tpu.core_type = #tpu.core_type<tc>} {
    %dma_start3A = arith.constant 0 : i32
    %dma_start3A_0 = arith.constant 0 : i32
    %dma_start3A_1 = tpu.memref_slice %arg5[%dma_start3A_0] : memref<4x!tpu.dma_semaphore, #tpu.memory_space<semaphore_mem>> -> memref<1x!tpu.dma_semaphore, #tpu.memory_space<semaphore_mem>>
    %dma_start3A_2 = tpu.memref_squeeze %dma_start3A_1 : memref<1x!tpu.dma_semaphore, #tpu.memory_space<semaphore_mem>> -> memref<!tpu.dma_semaphore, #tpu.memory_space<semaphore_mem>>
    %dma_start3A_3 = arith.constant 0 : i32
    %dma_start3A_4 = arith.constant 0 : i32
    %dma_start3A_5 = tpu.memref_slice %arg3[%dma_start3A, %dma_start3A_3, %dma_start3A_4] : memref<4x4096x128xf32, #tpu.memory_space<vmem>> -> memref<1x4096x128xf32, #tpu.memory_space<vmem>>
    %dma_start3A_6 = tpu.memref_squeeze %dma_start3A_5 : memref<1x4096x128xf32, #tpu.memory_space<vmem>> -> memref<4096x128xf32, #tpu.memory_space<vmem>>
    %dma_start3A_7 = arith.constant 0 : i32
    %dma_start3A_8 = arith.constant 0 : i32
    %dma_start3A_9 = tpu.memref_slice %arg1[%dma_start3A_7, %dma_start3A_8] : memref<16384x128xf32, #tpu.memory_space<hbm>> -> memref<4096x128xf32, #tpu.memory_space<hbm>>
    tpu.enqueue_dma source(%dma_start3A_9 : memref<4096x128xf32, #tpu.memory_space<hbm>>) target(%dma_start3A_6 : memref<4096x128xf32, #tpu.memory_space<vmem>>) target_semaphore(%dma_start3A_2 : memref<!tpu.dma_semaphore, #tpu.memory_space<semaphore_mem>>)
    %dma_start3A_10 = arith.constant 1 : i32
    %dma_start3A_11 = arith.constant 1 : i32
    %dma_start3A_12 = tpu.memref_slice %arg5[%dma_start3A_11] : memref<4x!tpu.dma_semaphore, #tpu.memory_space<semaphore_mem>> -> memref<1x!tpu.dma_semaphore, #tpu.memory_space<semaphore_mem>>
    %dma_start3A_13 = tpu.memref_squeeze %dma_start3A_12 : memref<1x!tpu.dma_semaphore, #tpu.memory_space<semaphore_mem>> -> memref<!tpu.dma_semaphore, #tpu.memory_space<semaphore_mem>>
    %dma_start3A_14 = arith.constant 0 : i32
    %dma_start3A_15 = arith.constant 0 : i32
    %dma_start3A_16 = tpu.memref_slice %arg3[%dma_start3A_10, %dma_start3A_14, %dma_start3A_15] : memref<4x4096x128xf32, #tpu.memory_space<vmem>> -> memref<1x4096x128xf32, #tpu.memory_space<vmem>>
    %dma_start3A_17 = tpu.memref_squeeze %dma_start3A_16 : memref<1x4096x128xf32, #tpu.memory_space<vmem>> -> memref<4096x128xf32, #tpu.memory_space<vmem>>
    %dma_start3A_18 = arith.constant 4096 : i32
    %dma_start3A_19 = arith.constant 0 : i32
    %dma_start3A_20 = tpu.memref_slice %arg1[%dma_start3A_18, %dma_start3A_19] : memref<16384x128xf32, #tpu.memory_space<hbm>> -> memref<4096x128xf32, #tpu.memory_space<hbm>>
    tpu.enqueue_dma source(%dma_start3A_20 : memref<4096x128xf32, #tpu.memory_space<hbm>>) target(%dma_start3A_17 : memref<4096x128xf32, #tpu.memory_space<vmem>>) target_semaphore(%dma_start3A_13 : memref<!tpu.dma_semaphore, #tpu.memory_space<semaphore_mem>>)
    %dma_start3A_21 = arith.constant 2 : i32
    %dma_start3A_22 = arith.constant 2 : i32
    %dma_start3A_23 = tpu.memref_slice %arg5[%dma_start3A_22] : memref<4x!tpu.dma_semaphore, #tpu.memory_space<semaphore_mem>> -> memref<1x!tpu.dma_semaphore, #tpu.memory_space<semaphore_mem>>
    %dma_start3A_24 = tpu.memref_squeeze %dma_start3A_23 : memref<1x!tpu.dma_semaphore, #tpu.memory_space<semaphore_mem>> -> memref<!tpu.dma_semaphore, #tpu.memory_space<semaphore_mem>>
    %dma_start3A_25 = arith.constant 0 : i32
    %dma_start3A_26 = arith.constant 0 : i32
    %dma_start3A_27 = tpu.memref_slice %arg3[%dma_start3A_21, %dma_start3A_25, %dma_start3A_26] : memref<4x4096x128xf32, #tpu.memory_space<vmem>> -> memref<1x4096x128xf32, #tpu.memory_space<vmem>>
    %dma_start3A_28 = tpu.memref_squeeze %dma_start3A_27 : memref<1x4096x128xf32, #tpu.memory_space<vmem>> -> memref<4096x128xf32, #tpu.memory_space<vmem>>
    %dma_start3A_29 = arith.constant 8192 : i32
    %dma_start3A_30 = arith.constant 0 : i32
    %dma_start3A_31 = tpu.memref_slice %arg1[%dma_start3A_29, %dma_start3A_30] : memref<16384x128xf32, #tpu.memory_space<hbm>> -> memref<4096x128xf32, #tpu.memory_space<hbm>>
    tpu.enqueue_dma source(%dma_start3A_31 : memref<4096x128xf32, #tpu.memory_space<hbm>>) target(%dma_start3A_28 : memref<4096x128xf32, #tpu.memory_space<vmem>>) target_semaphore(%dma_start3A_24 : memref<!tpu.dma_semaphore, #tpu.memory_space<semaphore_mem>>)
    %dma_start3A_32 = arith.constant 3 : i32
    %dma_start3A_33 = arith.constant 3 : i32
    %dma_start3A_34 = tpu.memref_slice %arg5[%dma_start3A_33] : memref<4x!tpu.dma_semaphore, #tpu.memory_space<semaphore_mem>> -> memref<1x!tpu.dma_semaphore, #tpu.memory_space<semaphore_mem>>
    %dma_start3A_35 = tpu.memref_squeeze %dma_start3A_34 : memref<1x!tpu.dma_semaphore, #tpu.memory_space<semaphore_mem>> -> memref<!tpu.dma_semaphore, #tpu.memory_space<semaphore_mem>>
    %dma_start3A_36 = arith.constant 0 : i32
    %dma_start3A_37 = arith.constant 0 : i32
    %dma_start3A_38 = tpu.memref_slice %arg3[%dma_start3A_32, %dma_start3A_36, %dma_start3A_37] : memref<4x4096x128xf32, #tpu.memory_space<vmem>> -> memref<1x4096x128xf32, #tpu.memory_space<vmem>>
    %dma_start3A_39 = tpu.memref_squeeze %dma_start3A_38 : memref<1x4096x128xf32, #tpu.memory_space<vmem>> -> memref<4096x128xf32, #tpu.memory_space<vmem>>
    %dma_start3A_40 = arith.constant 12288 : i32
    %dma_start3A_41 = arith.constant 0 : i32
    %dma_start3A_42 = tpu.memref_slice %arg1[%dma_start3A_40, %dma_start3A_41] : memref<16384x128xf32, #tpu.memory_space<hbm>> -> memref<4096x128xf32, #tpu.memory_space<hbm>>
    tpu.enqueue_dma source(%dma_start3A_42 : memref<4096x128xf32, #tpu.memory_space<hbm>>) target(%dma_start3A_39 : memref<4096x128xf32, #tpu.memory_space<vmem>>) target_semaphore(%dma_start3A_35 : memref<!tpu.dma_semaphore, #tpu.memory_space<semaphore_mem>>)
    %get3A = arith.constant 0 : index
    %get3A_43 = arith.constant 0 : index
    %get3A_44 = vector.load %arg0[%get3A, %get3A_43] : memref<2x128xf32, #tpu.memory_space<vmem>>, vector<1x128xf32>
    %get3A_45 = arith.constant 1 : index
    %get3A_46 = arith.constant 0 : index
    %get3A_47 = vector.load %arg0[%get3A_45, %get3A_46] : memref<2x128xf32, #tpu.memory_space<vmem>>, vector<1x128xf32>
    %dma_wait3A = arith.constant 0 : i32
    %dma_wait3A_48 = arith.constant 0 : i32
    %dma_wait3A_49 = tpu.memref_slice %arg5[%dma_wait3A_48] : memref<4x!tpu.dma_semaphore, #tpu.memory_space<semaphore_mem>> -> memref<1x!tpu.dma_semaphore, #tpu.memory_space<semaphore_mem>>
    %dma_wait3A_50 = tpu.memref_squeeze %dma_wait3A_49 : memref<1x!tpu.dma_semaphore, #tpu.memory_space<semaphore_mem>> -> memref<!tpu.dma_semaphore, #tpu.memory_space<semaphore_mem>>
    %dma_wait3A_51 = arith.constant 0 : i32
    %dma_wait3A_52 = arith.constant 0 : i32
    %dma_wait3A_53 = tpu.memref_slice %arg3[%dma_wait3A, %dma_wait3A_51, %dma_wait3A_52] : memref<4x4096x128xf32, #tpu.memory_space<vmem>> -> memref<1x4096x128xf32, #tpu.memory_space<vmem>>
    %dma_wait3A_54 = tpu.memref_squeeze %dma_wait3A_53 : memref<1x4096x128xf32, #tpu.memory_space<vmem>> -> memref<4096x128xf32, #tpu.memory_space<vmem>>
    %dma_wait3A_55 = arith.constant 0 : i32
    %dma_wait3A_56 = arith.constant 0 : i32
    %dma_wait3A_57 = tpu.memref_slice %arg1[%dma_wait3A_55, %dma_wait3A_56] : memref<16384x128xf32, #tpu.memory_space<hbm>> -> memref<4096x128xf32, #tpu.memory_space<hbm>>
    tpu.wait_dma2 semaphore(%dma_wait3A_50 : memref<!tpu.dma_semaphore, #tpu.memory_space<semaphore_mem>>) src(%dma_wait3A_57 : memref<4096x128xf32, #tpu.memory_space<hbm>>) dst(%dma_wait3A_54 : memref<4096x128xf32, #tpu.memory_space<vmem>>)
    %get3A_58 = arith.constant 0 : index
    %get3A_59 = arith.constant 0 : index
    %get3A_60 = arith.constant 0 : index
    %get3A_61 = vector.load %arg3[%get3A_58, %get3A_59, %get3A_60] : memref<4x4096x128xf32, #tpu.memory_space<vmem>>, vector<1x4096x128xf32>
    %get3A_62 = vector.shape_cast %get3A_61 : vector<1x4096x128xf32> to vector<4096x128xf32>
    %sub3A = vector.broadcast %get3A_44 : vector<1x128xf32> to vector<4096x128xf32>
    %sub3A_63 = arith.subf %get3A_62, %sub3A : vector<4096x128xf32>
    %mul3A = vector.broadcast %get3A_47 : vector<1x128xf32> to vector<4096x128xf32>
    %mul3A_64 = arith.mulf %sub3A_63, %mul3A : vector<4096x128xf32>
    %swap3A = arith.constant 0 : index
    %swap3A_65 = arith.constant 0 : index
    %swap3A_66 = arith.constant 0 : index
    %swap3A_67 = vector.load %arg4[%swap3A, %swap3A_65, %swap3A_66] : memref<4x4096x128xf32, #tpu.memory_space<vmem>>, vector<1x4096x128xf32>
    %swap3A_68 = vector.shape_cast %swap3A_67 : vector<1x4096x128xf32> to vector<4096x128xf32>
    %swap3A_69 = vector.shape_cast %mul3A_64 : vector<4096x128xf32> to vector<1x4096x128xf32>
    tpu.vector_store %arg4[%swap3A, %swap3A_65, %swap3A_66], %swap3A_69 {strides = array<i32>} : memref<4x4096x128xf32, #tpu.memory_space<vmem>>, vector<1x4096x128xf32>,
    %dma_start3A_70 = arith.constant 0 : i32
    %dma_start3A_71 = arith.constant 0 : i32
    %dma_start3A_72 = tpu.memref_slice %arg6[%dma_start3A_71] : memref<4x!tpu.dma_semaphore, #tpu.memory_space<semaphore_mem>> -> memref<1x!tpu.dma_semaphore, #tpu.memory_space<semaphore_mem>>
    %dma_start3A_73 = tpu.memref_squeeze %dma_start3A_72 : memref<1x!tpu.dma_semaphore, #tpu.memory_space<semaphore_mem>> -> memref<!tpu.dma_semaphore, #tpu.memory_space<semaphore_mem>>
    %dma_start3A_74 = arith.constant 0 : i32
    %dma_start3A_75 = arith.constant 0 : i32
    %dma_start3A_76 = tpu.memref_slice %arg2[%dma_start3A_74, %dma_start3A_75] : memref<16384x128xf32, #tpu.memory_space<hbm>> -> memref<4096x128xf32, #tpu.memory_space<hbm>>
    %dma_start3A_77 = arith.constant 0 : i32
    %dma_start3A_78 = arith.constant 0 : i32
    %dma_start3A_79 = tpu.memref_slice %arg4[%dma_start3A_70, %dma_start3A_77, %dma_start3A_78] : memref<4x4096x128xf32, #tpu.memory_space<vmem>> -> memref<1x4096x128xf32, #tpu.memory_space<vmem>>
    %dma_start3A_80 = tpu.memref_squeeze %dma_start3A_79 : memref<1x4096x128xf32, #tpu.memory_space<vmem>> -> memref<4096x128xf32, #tpu.memory_space<vmem>>
    tpu.enqueue_dma source(%dma_start3A_80 : memref<4096x128xf32, #tpu.memory_space<vmem>>) target(%dma_start3A_76 : memref<4096x128xf32, #tpu.memory_space<hbm>>) target_semaphore(%dma_start3A_73 : memref<!tpu.dma_semaphore, #tpu.memory_space<semaphore_mem>>)
    %dma_wait3A_81 = arith.constant 1 : i32
    %dma_wait3A_82 = arith.constant 1 : i32
    %dma_wait3A_83 = tpu.memref_slice %arg5[%dma_wait3A_82] : memref<4x!tpu.dma_semaphore, #tpu.memory_space<semaphore_mem>> -> memref<1x!tpu.dma_semaphore, #tpu.memory_space<semaphore_mem>>
    %dma_wait3A_84 = tpu.memref_squeeze %dma_wait3A_83 : memref<1x!tpu.dma_semaphore, #tpu.memory_space<semaphore_mem>> -> memref<!tpu.dma_semaphore, #tpu.memory_space<semaphore_mem>>
    %dma_wait3A_85 = arith.constant 0 : i32
    %dma_wait3A_86 = arith.constant 0 : i32
    %dma_wait3A_87 = tpu.memref_slice %arg3[%dma_wait3A_81, %dma_wait3A_85, %dma_wait3A_86] : memref<4x4096x128xf32, #tpu.memory_space<vmem>> -> memref<1x4096x128xf32, #tpu.memory_space<vmem>>
    %dma_wait3A_88 = tpu.memref_squeeze %dma_wait3A_87 : memref<1x4096x128xf32, #tpu.memory_space<vmem>> -> memref<4096x128xf32, #tpu.memory_space<vmem>>
    %dma_wait3A_89 = arith.constant 4096 : i32
    %dma_wait3A_90 = arith.constant 0 : i32
    %dma_wait3A_91 = tpu.memref_slice %arg1[%dma_wait3A_89, %dma_wait3A_90] : memref<16384x128xf32, #tpu.memory_space<hbm>> -> memref<4096x128xf32, #tpu.memory_space<hbm>>
    tpu.wait_dma2 semaphore(%dma_wait3A_84 : memref<!tpu.dma_semaphore, #tpu.memory_space<semaphore_mem>>) src(%dma_wait3A_91 : memref<4096x128xf32, #tpu.memory_space<hbm>>) dst(%dma_wait3A_88 : memref<4096x128xf32, #tpu.memory_space<vmem>>)
    %get3A_92 = arith.constant 1 : index
    %get3A_93 = arith.constant 0 : index
    %get3A_94 = arith.constant 0 : index
    %get3A_95 = vector.load %arg3[%get3A_92, %get3A_93, %get3A_94] : memref<4x4096x128xf32, #tpu.memory_space<vmem>>, vector<1x4096x128xf32>
    %get3A_96 = vector.shape_cast %get3A_95 : vector<1x4096x128xf32> to vector<4096x128xf32>
    %sub3A_97 = vector.broadcast %get3A_44 : vector<1x128xf32> to vector<4096x128xf32>
    %sub3A_98 = arith.subf %get3A_96, %sub3A_97 : vector<4096x128xf32>
    %mul3A_99 = vector.broadcast %get3A_47 : vector<1x128xf32> to vector<4096x128xf32>
    %mul3A_100 = arith.mulf %sub3A_98, %mul3A_99 : vector<4096x128xf32>
    %swap3A_101 = arith.constant 1 : index
    %swap3A_102 = arith.constant 0 : index
    %swap3A_103 = arith.constant 0 : index
    %swap3A_104 = vector.load %arg4[%swap3A_101, %swap3A_102, %swap3A_103] : memref<4x4096x128xf32, #tpu.memory_space<vmem>>, vector<1x4096x128xf32>
    %swap3A_105 = vector.shape_cast %swap3A_104 : vector<1x4096x128xf32> to vector<4096x128xf32>
    %swap3A_106 = vector.shape_cast %mul3A_100 : vector<4096x128xf32> to vector<1x4096x128xf32>
    tpu.vector_store %arg4[%swap3A_101, %swap3A_102, %swap3A_103], %swap3A_106 {strides = array<i32>} : memref<4x4096x128xf32, #tpu.memory_space<vmem>>, vector<1x4096x128xf32>,
    %dma_start3A_107 = arith.constant 1 : i32
    %dma_start3A_108 = arith.constant 1 : i32
    %dma_start3A_109 = tpu.memref_slice %arg6[%dma_start3A_108] : memref<4x!tpu.dma_semaphore, #tpu.memory_space<semaphore_mem>> -> memref<1x!tpu.dma_semaphore, #tpu.memory_space<semaphore_mem>>
    %dma_start3A_110 = tpu.memref_squeeze %dma_start3A_109 : memref<1x!tpu.dma_semaphore, #tpu.memory_space<semaphore_mem>> -> memref<!tpu.dma_semaphore, #tpu.memory_space<semaphore_mem>>
    %dma_start3A_111 = arith.constant 4096 : i32
    %dma_start3A_112 = arith.constant 0 : i32
    %dma_start3A_113 = tpu.memref_slice %arg2[%dma_start3A_111, %dma_start3A_112] : memref<16384x128xf32, #tpu.memory_space<hbm>> -> memref<4096x128xf32, #tpu.memory_space<hbm>>
    %dma_start3A_114 = arith.constant 0 : i32
    %dma_start3A_115 = arith.constant 0 : i32
    %dma_start3A_116 = tpu.memref_slice %arg4[%dma_start3A_107, %dma_start3A_114, %dma_start3A_115] : memref<4x4096x128xf32, #tpu.memory_space<vmem>> -> memref<1x4096x128xf32, #tpu.memory_space<vmem>>
    %dma_start3A_117 = tpu.memref_squeeze %dma_start3A_116 : memref<1x4096x128xf32, #tpu.memory_space<vmem>> -> memref<4096x128xf32, #tpu.memory_space<vmem>>
    tpu.enqueue_dma source(%dma_start3A_117 : memref<4096x128xf32, #tpu.memory_space<vmem>>) target(%dma_start3A_113 : memref<4096x128xf32, #tpu.memory_space<hbm>>) target_semaphore(%dma_start3A_110 : memref<!tpu.dma_semaphore, #tpu.memory_space<semaphore_mem>>)
    %dma_wait3A_118 = arith.constant 2 : i32
    %dma_wait3A_119 = arith.constant 2 : i32
    %dma_wait3A_120 = tpu.memref_slice %arg5[%dma_wait3A_119] : memref<4x!tpu.dma_semaphore, #tpu.memory_space<semaphore_mem>> -> memref<1x!tpu.dma_semaphore, #tpu.memory_space<semaphore_mem>>
    %dma_wait3A_121 = tpu.memref_squeeze %dma_wait3A_120 : memref<1x!tpu.dma_semaphore, #tpu.memory_space<semaphore_mem>> -> memref<!tpu.dma_semaphore, #tpu.memory_space<semaphore_mem>>
    %dma_wait3A_122 = arith.constant 0 : i32
    %dma_wait3A_123 = arith.constant 0 : i32
    %dma_wait3A_124 = tpu.memref_slice %arg3[%dma_wait3A_118, %dma_wait3A_122, %dma_wait3A_123] : memref<4x4096x128xf32, #tpu.memory_space<vmem>> -> memref<1x4096x128xf32, #tpu.memory_space<vmem>>
    %dma_wait3A_125 = tpu.memref_squeeze %dma_wait3A_124 : memref<1x4096x128xf32, #tpu.memory_space<vmem>> -> memref<4096x128xf32, #tpu.memory_space<vmem>>
    %dma_wait3A_126 = arith.constant 8192 : i32
    %dma_wait3A_127 = arith.constant 0 : i32
    %dma_wait3A_128 = tpu.memref_slice %arg1[%dma_wait3A_126, %dma_wait3A_127] : memref<16384x128xf32, #tpu.memory_space<hbm>> -> memref<4096x128xf32, #tpu.memory_space<hbm>>
    tpu.wait_dma2 semaphore(%dma_wait3A_121 : memref<!tpu.dma_semaphore, #tpu.memory_space<semaphore_mem>>) src(%dma_wait3A_128 : memref<4096x128xf32, #tpu.memory_space<hbm>>) dst(%dma_wait3A_125 : memref<4096x128xf32, #tpu.memory_space<vmem>>)
    %get3A_129 = arith.constant 2 : index
    %get3A_130 = arith.constant 0 : index
    %get3A_131 = arith.constant 0 : index
    %get3A_132 = vector.load %arg3[%get3A_129, %get3A_130, %get3A_131] : memref<4x4096x128xf32, #tpu.memory_space<vmem>>, vector<1x4096x128xf32>
    %get3A_133 = vector.shape_cast %get3A_132 : vector<1x4096x128xf32> to vector<4096x128xf32>
    %sub3A_134 = vector.broadcast %get3A_44 : vector<1x128xf32> to vector<4096x128xf32>
    %sub3A_135 = arith.subf %get3A_133, %sub3A_134 : vector<4096x128xf32>
    %mul3A_136 = vector.broadcast %get3A_47 : vector<1x128xf32> to vector<4096x128xf32>
    %mul3A_137 = arith.mulf %sub3A_135, %mul3A_136 : vector<4096x128xf32>
    %swap3A_138 = arith.constant 2 : index
    %swap3A_139 = arith.constant 0 : index
    %swap3A_140 = arith.constant 0 : index
    %swap3A_141 = vector.load %arg4[%swap3A_138, %swap3A_139, %swap3A_140] : memref<4x4096x128xf32, #tpu.memory_space<vmem>>, vector<1x4096x128xf32>
    %swap3A_142 = vector.shape_cast %swap3A_141 : vector<1x4096x128xf32> to vector<4096x128xf32>
    %swap3A_143 = vector.shape_cast %mul3A_137 : vector<4096x128xf32> to vector<1x4096x128xf32>
    tpu.vector_store %arg4[%swap3A_138, %swap3A_139, %swap3A_140], %swap3A_143 {strides = array<i32>} : memref<4x4096x128xf32, #tpu.memory_space<vmem>>, vector<1x4096x128xf32>,
    %dma_start3A_144 = arith.constant 2 : i32
    %dma_start3A_145 = arith.constant 2 : i32
    %dma_start3A_146 = tpu.memref_slice %arg6[%dma_start3A_145] : memref<4x!tpu.dma_semaphore, #tpu.memory_space<semaphore_mem>> -> memref<1x!tpu.dma_semaphore, #tpu.memory_space<semaphore_mem>>
    %dma_start3A_147 = tpu.memref_squeeze %dma_start3A_146 : memref<1x!tpu.dma_semaphore, #tpu.memory_space<semaphore_mem>> -> memref<!tpu.dma_semaphore, #tpu.memory_space<semaphore_mem>>
    %dma_start3A_148 = arith.constant 8192 : i32
    %dma_start3A_149 = arith.constant 0 : i32
    %dma_start3A_150 = tpu.memref_slice %arg2[%dma_start3A_148, %dma_start3A_149] : memref<16384x128xf32, #tpu.memory_space<hbm>> -> memref<4096x128xf32, #tpu.memory_space<hbm>>
    %dma_start3A_151 = arith.constant 0 : i32
    %dma_start3A_152 = arith.constant 0 : i32
    %dma_start3A_153 = tpu.memref_slice %arg4[%dma_start3A_144, %dma_start3A_151, %dma_start3A_152] : memref<4x4096x128xf32, #tpu.memory_space<vmem>> -> memref<1x4096x128xf32, #tpu.memory_space<vmem>>
    %dma_start3A_154 = tpu.memref_squeeze %dma_start3A_153 : memref<1x4096x128xf32, #tpu.memory_space<vmem>> -> memref<4096x128xf32, #tpu.memory_space<vmem>>
    tpu.enqueue_dma source(%dma_start3A_154 : memref<4096x128xf32, #tpu.memory_space<vmem>>) target(%dma_start3A_150 : memref<4096x128xf32, #tpu.memory_space<hbm>>) target_semaphore(%dma_start3A_147 : memref<!tpu.dma_semaphore, #tpu.memory_space<semaphore_mem>>)
    %dma_wait3A_155 = arith.constant 3 : i32
    %dma_wait3A_156 = arith.constant 3 : i32
    %dma_wait3A_157 = tpu.memref_slice %arg5[%dma_wait3A_156] : memref<4x!tpu.dma_semaphore, #tpu.memory_space<semaphore_mem>> -> memref<1x!tpu.dma_semaphore, #tpu.memory_space<semaphore_mem>>
    %dma_wait3A_158 = tpu.memref_squeeze %dma_wait3A_157 : memref<1x!tpu.dma_semaphore, #tpu.memory_space<semaphore_mem>> -> memref<!tpu.dma_semaphore, #tpu.memory_space<semaphore_mem>>
    %dma_wait3A_159 = arith.constant 0 : i32
    %dma_wait3A_160 = arith.constant 0 : i32
    %dma_wait3A_161 = tpu.memref_slice %arg3[%dma_wait3A_155, %dma_wait3A_159, %dma_wait3A_160] : memref<4x4096x128xf32, #tpu.memory_space<vmem>> -> memref<1x4096x128xf32, #tpu.memory_space<vmem>>
    %dma_wait3A_162 = tpu.memref_squeeze %dma_wait3A_161 : memref<1x4096x128xf32, #tpu.memory_space<vmem>> -> memref<4096x128xf32, #tpu.memory_space<vmem>>
    %dma_wait3A_163 = arith.constant 12288 : i32
    %dma_wait3A_164 = arith.constant 0 : i32
    %dma_wait3A_165 = tpu.memref_slice %arg1[%dma_wait3A_163, %dma_wait3A_164] : memref<16384x128xf32, #tpu.memory_space<hbm>> -> memref<4096x128xf32, #tpu.memory_space<hbm>>
    tpu.wait_dma2 semaphore(%dma_wait3A_158 : memref<!tpu.dma_semaphore, #tpu.memory_space<semaphore_mem>>) src(%dma_wait3A_165 : memref<4096x128xf32, #tpu.memory_space<hbm>>) dst(%dma_wait3A_162 : memref<4096x128xf32, #tpu.memory_space<vmem>>)
    %get3A_166 = arith.constant 3 : index
    %get3A_167 = arith.constant 0 : index
    %get3A_168 = arith.constant 0 : index
    %get3A_169 = vector.load %arg3[%get3A_166, %get3A_167, %get3A_168] : memref<4x4096x128xf32, #tpu.memory_space<vmem>>, vector<1x4096x128xf32>
    %get3A_170 = vector.shape_cast %get3A_169 : vector<1x4096x128xf32> to vector<4096x128xf32>
    %sub3A_171 = vector.broadcast %get3A_44 : vector<1x128xf32> to vector<4096x128xf32>
    %sub3A_172 = arith.subf %get3A_170, %sub3A_171 : vector<4096x128xf32>
    %mul3A_173 = vector.broadcast %get3A_47 : vector<1x128xf32> to vector<4096x128xf32>
    %mul3A_174 = arith.mulf %sub3A_172, %mul3A_173 : vector<4096x128xf32>
    %swap3A_175 = arith.constant 3 : index
    %swap3A_176 = arith.constant 0 : index
    %swap3A_177 = arith.constant 0 : index
    %swap3A_178 = vector.load %arg4[%swap3A_175, %swap3A_176, %swap3A_177] : memref<4x4096x128xf32, #tpu.memory_space<vmem>>, vector<1x4096x128xf32>
    %swap3A_179 = vector.shape_cast %swap3A_178 : vector<1x4096x128xf32> to vector<4096x128xf32>
    %swap3A_180 = vector.shape_cast %mul3A_174 : vector<4096x128xf32> to vector<1x4096x128xf32>
    tpu.vector_store %arg4[%swap3A_175, %swap3A_176, %swap3A_177], %swap3A_180 {strides = array<i32>} : memref<4x4096x128xf32, #tpu.memory_space<vmem>>, vector<1x4096x128xf32>,
    %dma_start3A_181 = arith.constant 3 : i32
    %dma_start3A_182 = arith.constant 3 : i32
    %dma_start3A_183 = tpu.memref_slice %arg6[%dma_start3A_182] : memref<4x!tpu.dma_semaphore, #tpu.memory_space<semaphore_mem>> -> memref<1x!tpu.dma_semaphore, #tpu.memory_space<semaphore_mem>>
    %dma_start3A_184 = tpu.memref_squeeze %dma_start3A_183 : memref<1x!tpu.dma_semaphore, #tpu.memory_space<semaphore_mem>> -> memref<!tpu.dma_semaphore, #tpu.memory_space<semaphore_mem>>
    %dma_start3A_185 = arith.constant 12288 : i32
    %dma_start3A_186 = arith.constant 0 : i32
    %dma_start3A_187 = tpu.memref_slice %arg2[%dma_start3A_185, %dma_start3A_186] : memref<16384x128xf32, #tpu.memory_space<hbm>> -> memref<4096x128xf32, #tpu.memory_space<hbm>>
    %dma_start3A_188 = arith.constant 0 : i32
    %dma_start3A_189 = arith.constant 0 : i32
    %dma_start3A_190 = tpu.memref_slice %arg4[%dma_start3A_181, %dma_start3A_188, %dma_start3A_189] : memref<4x4096x128xf32, #tpu.memory_space<vmem>> -> memref<1x4096x128xf32, #tpu.memory_space<vmem>>
    %dma_start3A_191 = tpu.memref_squeeze %dma_start3A_190 : memref<1x4096x128xf32, #tpu.memory_space<vmem>> -> memref<4096x128xf32, #tpu.memory_space<vmem>>
    tpu.enqueue_dma source(%dma_start3A_191 : memref<4096x128xf32, #tpu.memory_space<vmem>>) target(%dma_start3A_187 : memref<4096x128xf32, #tpu.memory_space<hbm>>) target_semaphore(%dma_start3A_184 : memref<!tpu.dma_semaphore, #tpu.memory_space<semaphore_mem>>)
    %dma_wait3A_192 = arith.constant 0 : i32
    %dma_wait3A_193 = arith.constant 0 : i32
    %dma_wait3A_194 = tpu.memref_slice %arg6[%dma_wait3A_193] : memref<4x!tpu.dma_semaphore, #tpu.memory_space<semaphore_mem>> -> memref<1x!tpu.dma_semaphore, #tpu.memory_space<semaphore_mem>>
    %dma_wait3A_195 = tpu.memref_squeeze %dma_wait3A_194 : memref<1x!tpu.dma_semaphore, #tpu.memory_space<semaphore_mem>> -> memref<!tpu.dma_semaphore, #tpu.memory_space<semaphore_mem>>
    %dma_wait3A_196 = arith.constant 0 : i32
    %dma_wait3A_197 = arith.constant 0 : i32
    %dma_wait3A_198 = tpu.memref_slice %arg2[%dma_wait3A_196, %dma_wait3A_197] : memref<16384x128xf32, #tpu.memory_space<hbm>> -> memref<4096x128xf32, #tpu.memory_space<hbm>>
    %dma_wait3A_199 = arith.constant 0 : i32
    %dma_wait3A_200 = arith.constant 0 : i32
    %dma_wait3A_201 = tpu.memref_slice %arg4[%dma_wait3A_192, %dma_wait3A_199, %dma_wait3A_200] : memref<4x4096x128xf32, #tpu.memory_space<vmem>> -> memref<1x4096x128xf32, #tpu.memory_space<vmem>>
    %dma_wait3A_202 = tpu.memref_squeeze %dma_wait3A_201 : memref<1x4096x128xf32, #tpu.memory_space<vmem>> -> memref<4096x128xf32, #tpu.memory_space<vmem>>
    tpu.wait_dma2 semaphore(%dma_wait3A_195 : memref<!tpu.dma_semaphore, #tpu.memory_space<semaphore_mem>>) src(%dma_wait3A_202 : memref<4096x128xf32, #tpu.memory_space<vmem>>) dst(%dma_wait3A_198 : memref<4096x128xf32, #tpu.memory_space<hbm>>)
    %dma_wait3A_203 = arith.constant 1 : i32
    %dma_wait3A_204 = arith.constant 1 : i32
    %dma_wait3A_205 = tpu.memref_slice %arg6[%dma_wait3A_204] : memref<4x!tpu.dma_semaphore, #tpu.memory_space<semaphore_mem>> -> memref<1x!tpu.dma_semaphore, #tpu.memory_space<semaphore_mem>>
    %dma_wait3A_206 = tpu.memref_squeeze %dma_wait3A_205 : memref<1x!tpu.dma_semaphore, #tpu.memory_space<semaphore_mem>> -> memref<!tpu.dma_semaphore, #tpu.memory_space<semaphore_mem>>
    %dma_wait3A_207 = arith.constant 4096 : i32
    %dma_wait3A_208 = arith.constant 0 : i32
    %dma_wait3A_209 = tpu.memref_slice %arg2[%dma_wait3A_207, %dma_wait3A_208] : memref<16384x128xf32, #tpu.memory_space<hbm>> -> memref<4096x128xf32, #tpu.memory_space<hbm>>
    %dma_wait3A_210 = arith.constant 0 : i32
    %dma_wait3A_211 = arith.constant 0 : i32
    %dma_wait3A_212 = tpu.memref_slice %arg4[%dma_wait3A_203, %dma_wait3A_210, %dma_wait3A_211] : memref<4x4096x128xf32, #tpu.memory_space<vmem>> -> memref<1x4096x128xf32, #tpu.memory_space<vmem>>
    %dma_wait3A_213 = tpu.memref_squeeze %dma_wait3A_212 : memref<1x4096x128xf32, #tpu.memory_space<vmem>> -> memref<4096x128xf32, #tpu.memory_space<vmem>>
    tpu.wait_dma2 semaphore(%dma_wait3A_206 : memref<!tpu.dma_semaphore, #tpu.memory_space<semaphore_mem>>) src(%dma_wait3A_213 : memref<4096x128xf32, #tpu.memory_space<vmem>>) dst(%dma_wait3A_209 : memref<4096x128xf32, #tpu.memory_space<hbm>>)
    %dma_wait3A_214 = arith.constant 2 : i32
    %dma_wait3A_215 = arith.constant 2 : i32
    %dma_wait3A_216 = tpu.memref_slice %arg6[%dma_wait3A_215] : memref<4x!tpu.dma_semaphore, #tpu.memory_space<semaphore_mem>> -> memref<1x!tpu.dma_semaphore, #tpu.memory_space<semaphore_mem>>
    %dma_wait3A_217 = tpu.memref_squeeze %dma_wait3A_216 : memref<1x!tpu.dma_semaphore, #tpu.memory_space<semaphore_mem>> -> memref<!tpu.dma_semaphore, #tpu.memory_space<semaphore_mem>>
    %dma_wait3A_218 = arith.constant 8192 : i32
    %dma_wait3A_219 = arith.constant 0 : i32
    %dma_wait3A_220 = tpu.memref_slice %arg2[%dma_wait3A_218, %dma_wait3A_219] : memref<16384x128xf32, #tpu.memory_space<hbm>> -> memref<4096x128xf32, #tpu.memory_space<hbm>>
    %dma_wait3A_221 = arith.constant 0 : i32
    %dma_wait3A_222 = arith.constant 0 : i32
    %dma_wait3A_223 = tpu.memref_slice %arg4[%dma_wait3A_214, %dma_wait3A_221, %dma_wait3A_222] : memref<4x4096x128xf32, #tpu.memory_space<vmem>> -> memref<1x4096x128xf32, #tpu.memory_space<vmem>>
    %dma_wait3A_224 = tpu.memref_squeeze %dma_wait3A_223 : memref<1x4096x128xf32, #tpu.memory_space<vmem>> -> memref<4096x128xf32, #tpu.memory_space<vmem>>
    tpu.wait_dma2 semaphore(%dma_wait3A_217 : memref<!tpu.dma_semaphore, #tpu.memory_space<semaphore_mem>>) src(%dma_wait3A_224 : memref<4096x128xf32, #tpu.memory_space<vmem>>) dst(%dma_wait3A_220 : memref<4096x128xf32, #tpu.memory_space<hbm>>)
    %dma_wait3A_225 = arith.constant 3 : i32
    %dma_wait3A_226 = arith.constant 3 : i32
    %dma_wait3A_227 = tpu.memref_slice %arg6[%dma_wait3A_226] : memref<4x!tpu.dma_semaphore, #tpu.memory_space<semaphore_mem>> -> memref<1x!tpu.dma_semaphore, #tpu.memory_space<semaphore_mem>>
    %dma_wait3A_228 = tpu.memref_squeeze %dma_wait3A_227 : memref<1x!tpu.dma_semaphore, #tpu.memory_space<semaphore_mem>> -> memref<!tpu.dma_semaphore, #tpu.memory_space<semaphore_mem>>
    %dma_wait3A_229 = arith.constant 12288 : i32
    %dma_wait3A_230 = arith.constant 0 : i32
    %dma_wait3A_231 = tpu.memref_slice %arg2[%dma_wait3A_229, %dma_wait3A_230] : memref<16384x128xf32, #tpu.memory_space<hbm>> -> memref<4096x128xf32, #tpu.memory_space<hbm>>
    %dma_wait3A_232 = arith.constant 0 : i32
    %dma_wait3A_233 = arith.constant 0 : i32
    %dma_wait3A_234 = tpu.memref_slice %arg4[%dma_wait3A_225, %dma_wait3A_232, %dma_wait3A_233] : memref<4x4096x128xf32, #tpu.memory_space<vmem>> -> memref<1x4096x128xf32, #tpu.memory_space<vmem>>
    %dma_wait3A_235 = tpu.memref_squeeze %dma_wait3A_234 : memref<1x4096x128xf32, #tpu.memory_space<vmem>> -> memref<4096x128xf32, #tpu.memory_space<vmem>>
    tpu.wait_dma2 semaphore(%dma_wait3A_228 : memref<!tpu.dma_semaphore, #tpu.memory_space<semaphore_mem>>) src(%dma_wait3A_235 : memref<4096x128xf32, #tpu.memory_space<vmem>>) dst(%dma_wait3A_231 : memref<4096x128xf32, #tpu.memory_space<hbm>>)
    return
  }
}

</mosaic_0001>

<sc_bundles>
// kernel: kernel.4.cloned.1.call-start
scs
__scs_entry_jumppad:
0x0: {  	(pc) =	sbr.rel $0x88, $3  }
0x1: {  	(tag) =	ssettag $0x0;
	lr =	simm.s32 $0x1  }
0x2: {  	[smem:$0x3F9D] =	sst lr;
	_ =	strace $0xD0000000  }
0x3: {  	_ = 	snop  }
0x4: {  	_ = 	snop  }
0x5: {  	_ = 	snop  }
0x6: {  	_ = 	snop  }
0x7: {  	_ = 	snop  }
__scs_overlays_trampoline_lowered:
0x8: {  	[smem:$0x3FAC] =	sst s0  }
0x9: {  	[smem:$0x3FAD] =	sst s1  }
0xa: {  	[smem:$0x3FAE] =	sst s2  }
0xb: {  	[smem:$0x3FAF] =	sst s3  }
0xc: {  	[smem:$0x3FB0] =	sst s4  }
0xd: {  	[smem:$0x3FB1] =	sst s5  }
0xe: {  	[smem:$0x3FB2] =	sst s6  }
0xf: {  	[smem:$0x3FB3] =	sst s7  }
0x10: {  	[smem:$0x3FB4] =	sst s8  }
0x11: {  	[smem:$0x3FB5] =	sst s9;
	s0 =	simm.s32 @!p0 $0x0  }
0x12: {  	s1 =	sld [smem:$0x3F9B];
	s0 =	simm.s32 @p0 $0x1  }
0x13: {  	[smem:$0x3FB6] =	sst s0;
	s0 =	simm.s32 @!p1 $0x0  }
0x14: {  	s2 =	sld [smem:$0x3F9A];
	s0 =	simm.s32 @p1 $0x1  }
0x15: {  	[smem:$0x3FB7] =	sst s0;
	s0 =	simm.s32 @!p2 $0x0  }
0x16: {  	s3 =	sld [smem:$0x3FDB];
	s0 =	simm.s32 @p2 $0x1  }
0x17: {  	s4 =	simm.s32 $0x1BF5;
	[smem:$0x3FB9] =	sst s0  }
0x18: {  	s0 =	sld [smem:$0x3F9C];
	_ =	swait.ge [sflag:s4], $0x0  }
0x19: {  	s7 =	sld [smem:$0x3F9D]  }
0x1a: {  	s8 =	sadd.s32 $0xFFFFE003, lr  }
0x1b: {  	s9 =	sadd.s32 $0xFFFFFEF7, lr;
	s5 =	simm.s32 $0xFFFFFFFF;
	p2 =	slt.u32 s8, $0xFFFFF086  }
0x1c: {  	p1 =	slt.u32 s9, $0xF7A;
	s5 =	simm.s32 @!p2 $0x0  }
0x1d: {  	s5 =	simm.s32 @p1 $0x1;
	p0 =	seq.s32 s7, s2  }
0x1e: {  	s7 =	smul.u32 @!p0 $0xF7A, s2;
	p2 =	seq.s32 @!p0 s5, $0x0  }
0x1f: {  	s9 =	smul.u32 $0xF7A, s1;
	s8 =	simm.s32 @!p0 $0x1BF5;
	p2 =	por !p2, p0  }
0x20: {  	[sflag:s8] =	ssyncset.s32 @!p0 $0xFFFFF086;
	s6 =	sadd.s32 @!p0 s3, s7;
	s7 =	simm.s32 @!p0 $0x108  }
0x21: {  	s3 =	sadd.s32 s3, s9;
	s6 =	sadd.s32 @!p0 $0x88, s6;
	s7 =	simm.s32 @p2 $0x1082  }
0x22: {  	[simem:s7], [sflag:s8] =	dma.local @!p0 [hbm:s6], $0xF7A  }
0x23: {  	s9 =	sor.u32 $0xD0000000, s2;
	s6 =	simm.s32 $0x108;
	_ =	swait.ge @!p0 [sflag:s8], $0x0  }
0x24: {  	s3 =	sadd.s32 $0x88, s3;
	s6 =	simm.s32 @!p1 $0x1082;
	[sflag:s4] =	ssyncset.s32 $0xFFFFF086  }
0x25: {  	[simem:s6], [sflag:s4] =	dma.local [hbm:s3], $0xF7A  }
0x26: {  	[smem:$0x3F9D] =	sst s1;
	(tag) =	ssettag s2;
	_ =	strace s9  }
0x27: {  	s1 =	sld [smem:$0x3FAD]  }
0x28: {  	s2 =	sld [smem:$0x3FAE]  }
0x29: {  	s4 =	sld [smem:$0x3FB0]  }
0x2a: {  	p0 =	seq.s32 s5, $0x0;
	s5 =	sld [smem:$0x3FB1]  }
0x2b: {  	s6 =	sld [smem:$0x3FB2]  }
0x2c: {  	s7 =	sld [smem:$0x3FB3]  }
0x2d: {  	s3 =	simm.s32 $0x108;
	s8 =	sld [smem:$0x3FB4]  }
0x2e: {  	s3 =	simm.s32 @!p0 $0x1082;
	s9 =	sld [smem:$0x3FB5]  }
0x2f: {  	lr =	sadd.s32 s0, s3;
	s0 =	sld [smem:$0x3FAC]  }
0x30: {  	s3 =	sld [smem:$0x3FAF]  }
0x31: {  	[smem:$0x3FB8] =	sst s10  }
0x32: {  	s10 =	sld [smem:$0x3FB6];
	_ =	sdelay $0x3  }
0x33: {  	p0 =	seq.s32 s10, $0x1;
	s10 =	sld [smem:$0x3FB8];
	_ =	sdelay $0x3  }
0x34: {  	[smem:$0x3FB8] =	sst s10  }
0x35: {  	s10 =	sld [smem:$0x3FB7];
	_ =	sdelay $0x3  }
0x36: {  	p1 =	seq.s32 s10, $0x1;
	s10 =	sld [smem:$0x3FB8];
	_ =	sdelay $0x3  }
0x37: {  	[smem:$0x3FB8] =	sst s10  }
0x38: {  	s10 =	sld [smem:$0x3FB9]  }
0x39: {  	_ = 	snop;
	(pc) =	sbr.ind lr, $3  }
0x3a: {  	_ = 	snop  }
0x3b: {  	_ = 	snop  }
0x3c: {  	p2 =	seq.s32 s10, $0x1;
	s10 =	sld [smem:$0x3FB8]  }
0x3d: {  	_ =	shalt  }
0x3e: {  	_ =	shalt  }
0x3f: {  	_ =	shalt  }
0x40: {  	_ =	shalt  }
0x41: {  	_ =	shalt  }
0x42: {  	_ =	shalt  }
0x43: {  	_ =	shalt  }
0x44: {  	_ =	shalt  }
0x45: {  	_ =	shalt  }
0x46: {  	_ =	shalt  }
0x47: {  	_ =	shalt  }
0x48: {  	_ =	shalt  }
0x49: {  	_ =	shalt  }
0x4a: {  	_ =	shalt  }
0x4b: {  	_ =	shalt  }
0x4c: {  	_ =	shalt  }
0x4d: {  	_ =	shalt  }
0x4e: {  	_ =	shalt  }
0x4f: {  	_ =	shalt  }
0x50: {  	_ =	shalt  }
0x51: {  	_ =	shalt  }
0x52: {  	_ =	shalt  }
0x53: {  	_ =	shalt  }
0x54: {  	_ =	shalt  }
0x55: {  	_ =	shalt  }
0x56: {  	_ =	shalt  }
0x57: {  	_ =	shalt  }
0x58: {  	_ =	shalt  }
0x59: {  	_ =	shalt  }
0x5a: {  	_ =	shalt  }
0x5b: {  	_ =	shalt  }
0x5c: {  	_ =	shalt  }
0x5d: {  	_ =	shalt  }
0x5e: {  	_ =	shalt  }
0x5f: {  	_ =	shalt  }
0x60: {  	_ =	shalt  }
0x61: {  	_ =	shalt  }
0x62: {  	_ =	shalt  }
0x63: {  	_ =	shalt  }
0x64: {  	_ =	shalt  }
0x65: {  	_ =	shalt  }
0x66: {  	_ =	shalt  }
0x67: {  	_ =	shalt  }
0x68: {  	_ =	shalt  }
0x69: {  	_ =	shalt  }
0x6a: {  	_ =	shalt  }
0x6b: {  	_ =	shalt  }
0x6c: {  	_ =	shalt  }
0x6d: {  	_ =	shalt  }
0x6e: {  	_ =	shalt  }
0x6f: {  	_ =	shalt  }
0x70: {  	_ =	shalt  }
0x71: {  	_ =	shalt  }
0x72: {  	_ =	shalt  }
0x73: {  	_ =	shalt  }
0x74: {  	_ =	shalt  }
0x75: {  	_ =	shalt  }
0x76: {  	_ =	shalt  }
0x77: {  	_ =	shalt  }
0x78: {  	_ =	shalt  }
0x79: {  	_ =	shalt  }
0x7a: {  	_ =	shalt  }
0x7b: {  	_ =	shalt  }
0x7c: {  	_ =	shalt  }
0x7d: {  	_ =	shalt  }
0x7e: {  	_ =	shalt  }
0x7f: {  	_ =	shalt  }
0x80: {  	_ =	shalt  }
0x81: {  	_ =	shalt  }
0x82: {  	_ =	shalt  }
0x83: {  	_ =	shalt  }
0x84: {  	_ =	shalt  }
0x85: {  	_ =	shalt  }
0x86: {  	_ =	shalt  }
0x87: {  	_ =	shalt  }
.Lfunc_end0:
.L_simem_size_0:
called_computation_lowered:
.L_overlay_start_0:
0x88: {  	s2 =	sld [smem:$0x3FD9]  }
0x89: {  	s3 =	sld [smem:$0x3FFE];
	_ =	sdelay $0x1  }
0x8a: {  	s1 =	srdreg.scid  }
0x8b: {  	s0 =	sand.u32 $0x1, s1  }
0x8c: {  	s18 =	sshll.u32 s0, $0xA;
	s2 =	sadd.s32 s3, s2  }
0x8d: {  	s2 =	sadd.s32 s2, s18  }
0x8e: {  	[smem:$0x3FC4] =	sst s2  }
0x8f: {  	_ = 	snop  }
0x90: {  	s2 =	sld [smem:$0x3FC8]  }
0x91: {  	s19 =	sld [smem:$0x3FC7]  }
0x92: {  	s4 =	sld [smem:$0x3FC6]  }
0x93: {  	s5 =	sld [smem:$0x3FD0];
	(tm) =	ssettm $0x1  }
0x94: {  	s6 =	sld [smem:$0x3FFB];
	_ =	sdelay $0x3  }
0x95: {  	_ =	strace s6  }
0x96: {  	s6 =	sld [smem:$0x3FFC];
	_ =	sdelay $0x3  }
0x97: {  	_ =	strace s6  }
0x98: {  	s6 =	sld [smem:$0x3FFD];
	_ =	sdelay $0x3  }
0x99: {  	_ =	strace s6  }
0x9a: {  	_ =	strace $0x8FFFFFFF  }
0x9b: {  	s20 =	sld [smem:$0x3FDB];
	_ =	sdelay $0x1  }
0x9c: {  	s7 =	simm.s32 $_scs_section_size  }
0x9d: {  	s8 =	simm.s32 $_size__tile_overlayer_lowered;
	s9 =	simm.s32 $_tile_overlayer_lowered  }
0x9e: {  	s23 =	simm.s32 $0x1BFF;
	s22 =	sshll.u32 s9, $0x1;
	s6 =	sadd.s32 s7, s20  }
0x9f: {  	s10 =	simm.s32 $0x0;
	s21 =	sshll.u32 s8, $0x1;
	s8 =	sadd.s32 s22, s6  }
0xa0: {  	[timem:s10], [sflag:s23] =	dma.local [hbm:s8], s21  }
0xa1: {  	_ =	swait.ge [sflag:s23], s21  }
0xa2: {  	s7 =	ssub.s32 $0x0, s21;
	[sflag:s23] =	ssyncset.done $0x0  }
0xa3: {  	[sflag:s23] =	ssyncadd.s32 s7;
	_ =	sdelay $0x1  }
0xa4: {  	s24 =	simm.s32 $0x1B8B  }
0xa5: {  	_ =	swait.ge [sflag:s24], $0x1  }
0xa6: {  	[sflag:s24] =	ssyncset.done $0x0  }
0xa7: {  	s25 =	simm.s32 $0x1B8E;
	[sflag:s24] =	ssyncadd.s32 $0xFFFFFFFF  }
0xa8: {  	s26 =	simm.s32 $execute0_lowered;
	[smem:$0x3FD2] =	sst s25  }
0xa9: {  	s7 =	sshll.u32 s26, $0x1;
	_ =	strace $0x80000046;
	[dreg:$0x1] =	wrdreg $0xFFFFFFFF  }
0xaa: {  	s28 =	simm.s32 $_size_execute0_lowered;
	s6 =	sadd.s32 s6, s7;
	[dreg:$0x0] =	wrdreg $0x0  }
0xab: {  	s7 =	sshll.u32 s28, $0x1;
	[dreg:$0x2] =	wrdreg s6  }
0xac: {  	[dreg:$0x3] =	wrdreg s7  }
0xad: {  	[dreg:$0x4] =	wrdreg $0xC0  }
0xae: {  	_ =	task [dreg:s10], $0x5FFFF  }
0xaf: {  	[dreg:$0x1] =	wrdreg $0xFFFFFFFF  }
0xb0: {  	[dreg:$0x0] =	wrdreg $0x60  }
0xb1: {  	[dreg:$0x2] =	wrdreg s2  }
0xb2: {  	[dreg:$0x3] =	wrdreg s19  }
0xb3: {  	[dreg:$0x4] =	wrdreg s4  }
0xb4: {  	[dreg:$0x5] =	wrdreg s5  }
0xb5: {  	[dreg:$0x6] =	wrdreg $0x9  }
0xb6: {  	_ =	task.clear_ibuf [dreg:s10], $0x7FFFF;
	_ =	strace $0x90000046  }
0xb7: {  	s29 =	simm.s32 $0x9;
	_ =	strace $0x80000048  }
0xb8: {  	_ =	swait.ge [sflag:s29], $0x1  }
0xb9: {  	[sflag:s29] =	ssyncadd.s32 $0xFFFFFFFF  }
0xba: {  	_ =	strace $0x90000048  }
0xbb: {  	_ =	sfence  }
0xbc: {  	s30 =	sld [smem:$0x0];
	_ =	sdelay $0x2  }
0xbd: {  	s31 =	sshll.u32 s1, $0xD;
	s1 =	sshrl.u32 s1, $0x2  }
0xbe: {  	s3 =	sand.u32 $0x4000, s31;
	s1 =	sadd.s32 s1, s30  }
0xbf: {  	s0 =	sor.u32 s3, s0;
	s1 =	sshll.u32 s1, $0x11  }
0xc0: {  	s0 =	sor.u32 s1, s0  }
0xc1: {  	s0 =	sadd.s32 $0x8F2B, s0  }
0xc2: {  	[sflag:s0] =	ssyncadd.remote.s32 $0x1  }
0xc3: {  	_ =	sfence.sel $0xFFFF  }
0xc4: {  	[dreg:$0x0] =	wrdreg $0xFFFFFFFF;
	(pc) =	sbr.abs _section_cstart, $3  }
0xc5: {  	[dreg:$0x1] =	wrdreg $0xFFFFFFFF  }
0xc6: {  	_ =	task.clear_ibuf [dreg:s10], $0x2FFFF;
	_ =	strace $0x9FFFFFFF  }
0xc7: {  	(tm) =	ssettm $0x7FFFFFFF  }
tec
execute0_lowered:
.L_overlay_start_1:
0x0: {  	(tag) =	ssettag $0x1  }
0x1: {  	s0 =	srdreg.scid  }
0x2: {  	s8 =	sand.u32 $0x1, s0;
	s0 =	stileid.u32  }
0x3: {  	s3 =	sor.u32 s0, s8  }
0x4: {  	p0 =	sne.s32 s3, $0x0  }
.Ltmp0:
0x5: {  	s5 =	rddreg [dreg:$0x0];
	(pc) =	sbr.rel @p0 .LBB2_4-.Ltmp0, $4  }
0x6: {  	s6 =	rddreg [dreg:$0x1]  }
0x7: {  	s7 =	rddreg [dreg:$0x2]  }
0x8: {  	s2 =	rddreg [dreg:$0x3]  }
0x9: {  	s1 =	rddreg [dreg:$0x4];
	_ =	strace $0x80000047  }
0xa: {  	s4 =	simm.s32 $0x0;
	s3 =	simm.s32 $0x2  }
0xb: {  	[tilespmem:s4], [sflag:$0x2] =	stream.linear.gather [hbm4b:s5+s4], $0x80, $0x38;
	[tilespmem:$0x300] =	vst v63  }
0xc: {  	_ =	swait.ge [sflag:s3], $0x80  }
0xd: {  	[sflag:s3] =	ssyncset.done $0x0  }
0xe: {  	[sflag:s3] =	ssyncadd.s32 $0xFFFFFF80  }
0xf: {  	v0 =	vld [tilespmem:$0x70]  }
0x10: {  	v1 =	vld [tilespmem:$0x50]  }
0x11: {  	v2 =	vld [tilespmem:$0x30]  }
0x12: {  	v3 =	vld [tilespmem:$0x60]  }
0x13: {  	v4 =	vld [tilespmem:$0x0]  }
0x14: {  	v5 =	vld [tilespmem:$0x20]  }
0x15: {  	v6 =	vld [tilespmem:$0x40]  }
0x16: {  	v7 =	vld [tilespmem:$0x10]  }
0x17: {  	v1 =	vmul.f32 $1.000000000e+02, v1  }
0x18: {  	v0 =	vmul.f32 $1.000000000e+02, v0;
	v2 =	vmul.f32 $1.000000000e+02, v2  }
0x19: {  	v3 =	vmul.f32 $1.000000000e+02, v3;
	v4 =	vmul.f32 $1.000000000e+02, v4  }
0x1a: {  	v5 =	vmul.f32 $1.000000000e+02, v5;
	v6 =	vmul.f32 $1.000000000e+02, v6  }
0x1b: {  	v7 =	vmul.f32 $1.000000000e+02, v7;
	v1 =	vtrunc.f32 v1  }
0x1c: {  	v0 =	vtrunc.f32 v0;
	v3 =	vtrunc.f32 v3  }
0x1d: {  	v4 =	vtrunc.f32 v4;
	v2 =	vtrunc.f32 v2  }
0x1e: {  	v6 =	vtrunc.f32 v6;
	v7 =	vtrunc.f32 v7  }
0x1f: {  	v5 =	vtrunc.f32 v5;
	v1 =	vcvt.f32.s32 v1  }
0x20: {  	v0 =	vcvt.f32.s32 v0;
	v4 =	vcvt.f32.s32 v4  }
0x21: {  	v3 =	vcvt.f32.s32 v3;
	v2 =	vcvt.f32.s32 v2  }
0x22: {  	vm0 =	vgt.s32 v1, $0x0;
	vm10 =	vgt.s32 v0, $0x0;
	vm1 =	vgt.s32 v4, $0x0  }
0x23: {  	vm11 =	vgt.s32 v3, $0x0;
	vm12 =	vgt.s32 v2, $0x0;
	v1 =	vnsel vm0, $0x0, v1  }
0x24: {  	v4 =	vnsel vm1, $0x0, v4;
	v3 =	vnsel vm11, $0x0, v3;
	v1 =	vmin.u32 v1, $0x63  }
0x25: {  	v0 =	vnsel vm10, $0x0, v0;
	v4 =	vmin.u32 v4, $0x63;
	[tilespmem:$0xD0] =	vst v1;
	v1 =	vcvt.f32.s32 v6  }
0x26: {  	v2 =	vnsel vm12, $0x0, v2;
	v3 =	vmin.u32 v3, $0x63;
	[tilespmem:$0x80] =	vst v4;
	v4 =	vcvt.f32.s32 v5  }
0x27: {  	v0 =	vmin.u32 v0, $0x63;
	[tilespmem:$0xE0] =	vst v3;
	v3 =	vcvt.f32.s32 v7;
	vm13 =	vgt.s32 v1, $0x0  }
0x28: {  	v2 =	vmin.u32 v2, $0x63;
	[tilespmem:$0xF0] =	vst v0;
	vm14 =	vgt.s32 v4, $0x0;
	v0 =	vnsel vm13, $0x0, v1  }
0x29: {  	[tilespmem:$0xB0] =	vst v2;
	vm15 =	vgt.s32 v3, $0x0;
	v1 =	vnsel vm14, $0x0, v4;
	v0 =	vmin.u32 v0, $0x63  }
0x2a: {  	v2 =	vnsel vm15, $0x0, v3;
	[tilespmem:$0xC0] =	vst v0;
	v0 =	vmin.u32 v1, $0x63  }
0x2b: {  	v1 =	vmin.u32 v2, $0x63;
	[tilespmem:$0xA0] =	vst v0  }
0x2c: {  	s9 =	simm.s32 $0x80;
	s10 =	simm.s32 $0x100;
	s11 =	simm.s32 $0x1;
	[tilespmem:$0x90] =	vst v1  }
0x2d: {  	[tilespmem:s10], [sflag:$0x1] =	stream.indirect.gather [hbm4b:s6+s9], $0x1, s9, s9, $0xb8;
	[tilespmem:$0x300] =	vst v63  }
0x2e: {  	_ =	swait.ge [sflag:s11], $0x80  }
0x2f: {  	[sflag:s11] =	ssyncset.done $0x0  }
0x30: {  	s12 =	simm.s32 $0x180;
	[sflag:s11] =	ssyncadd.s32 $0xFFFFFF80  }
0x31: {  	[tilespmem:s12], [sflag:$0x1] =	stream.indirect.gather [hbm4b:s7+s9], $0x1, s9, s9, $0xb8;
	[tilespmem:$0x300] =	vst v63  }
0x32: {  	s8 =	ssub.s32 $0x2, s8;
	_ =	swait.ge [sflag:s11], $0x80  }
0x33: {  	s13 =	sshrl.u32 s8, $0x1;
	[sflag:s11] =	ssyncset.done $0x0  }
0x34: {  	s13 =	ssub.s32 s8, s13;
	[sflag:s11] =	ssyncadd.s32 $0xFFFFFF80  }
0x35: {  	p0 =	sne.s32 s13, $0x1;
	v5 =	vld [tilespmem:$0x180]  }
.Ltmp1:
0x36: {  	v4 =	vld [tilespmem:$0x1F0];
	(pc) =	sbr.rel @!p0 .LBB2_3-.Ltmp1, $4  }
0x37: {  	v3 =	vld [tilespmem:$0x190]  }
0x38: {  	v2 =	vld [tilespmem:$0x1C0]  }
0x39: {  	v1 =	vld [tilespmem:$0x1E0]  }
0x3a: {  	s8 =	simm.s32 $0x200;
	s13 =	sadd.s32 $0xFFFFFFFF, s13;
	v0 =	vld [tilespmem:$0x1B0];
	(erf) = vrcp.f32 v5  }
.LBB2_2:
0x3b: {  	p0 =	sne.s32 s13, $0x1;
	s13 =	sadd.s32 $0xFFFFFFFF, s13;
	v5 =	vld [tilespmem:$0x1A0];
	(erf) = vrcp.f32 v4  }
0x3c: {  	v4 =	vld [tilespmem:$0x1D0];
	(erf) = vrcp.f32 v3  }
0x3d: {  	v3 =	vld [tilespmem:$0x100];
	(erf) = vrcp.f32 v2  }
0x3e: {  	v2 =	vld [tilespmem:$0x110];
	(erf) = vrcp.f32 v1  }
0x3f: {  	v1 =	vld [tilespmem:$0x120];
	(erf) = vrcp.f32 v0  }
0x40: {  	v0 =	vld [tilespmem:$0x130];
	(erf) = vrcp.f32 v5  }
0x41: {  	v5 =	vld [tilespmem:$0x140];
	(erf) = vrcp.f32 v4  }
0x42: {  	[tilespmem:$0x200] =	vst v3;
	v3 =	vld [tilespmem:$0x150]  }
0x43: {  	[tilespmem:$0x210] =	vst v2;
	v2 =	vld [tilespmem:$0x160];
	v4 =	vpop (erf)  }
0x44: {  	[tilespmem:$0x280] =	vst v4;
	v4 =	vld [tilespmem:$0x170];
	v6 =	vpop (erf)  }
0x45: {  	[tilespmem:$0x220] =	vst v1;
	v1 =	vpop (erf)  }
0x46: {  	[tilespmem:$0x2F0] =	vst v6;
	v6 =	vpop (erf)  }
0x47: {  	[tilespmem:$0x250] =	vst v3;
	v3 =	vpop (erf)  }
0x48: {  	[tilespmem:$0x230] =	vst v0;
	v0 =	vpop (erf)  }
0x49: {  	[tilespmem:$0x260] =	vst v2;
	v2 =	vpop (erf)  }
0x4a: {  	[tilespmem:$0x290] =	vst v1;
	v1 =	vpop (erf)  }
0x4b: {  	[tilespmem:$0x270] =	vst v4  }
0x4c: {  	[tilespmem:$0x240] =	vst v5  }
0x4d: {  	[tilespmem:$0x2C0] =	vst v6  }
0x4e: {  	[tilespmem:$0x2E0] =	vst v3  }
0x4f: {  	[tilespmem:$0x2B0] =	vst v0  }
0x50: {  	[tilespmem:$0x2D0] =	vst v1  }
0x51: {  	[tilespmem:$0x2A0] =	vst v2  }
0x52: {  	[hbm4b:s2+s4] =	stream.linear.scatter [tilespmem:s8], [sflag:$0x2], $0x100, $0x38;
	[tilespmem:$0x300] =	vst v63  }
0x53: {  	_ =	swait.ge [sflag:s3], $0x100  }
0x54: {  	[sflag:s3] =	ssyncset.done $0x0  }
0x55: {  	[sflag:s3] =	ssyncadd.s32 $0xFFFFFF00  }
0x56: {  	[tilespmem:s4], [sflag:$0x2] =	stream.linear.gather [hbm4b:s5+s4], $0x80, $0x38;
	[tilespmem:$0x300] =	vst v63  }
0x57: {  	_ =	swait.ge [sflag:s3], $0x80  }
0x58: {  	[sflag:s3] =	ssyncset.done $0x0  }
0x59: {  	[sflag:s3] =	ssyncadd.s32 $0xFFFFFF80  }
0x5a: {  	v0 =	vld [tilespmem:$0x70]  }
0x5b: {  	v1 =	vld [tilespmem:$0x50]  }
0x5c: {  	v2 =	vld [tilespmem:$0x30]  }
0x5d: {  	v3 =	vld [tilespmem:$0x60]  }
0x5e: {  	v4 =	vld [tilespmem:$0x0]  }
0x5f: {  	v5 =	vld [tilespmem:$0x10];
	v0 =	vmul.f32 $1.000000000e+02, v0  }
0x60: {  	v6 =	vld [tilespmem:$0x20];
	v1 =	vmul.f32 $1.000000000e+02, v1  }
0x61: {  	v2 =	vmul.f32 $1.000000000e+02, v2;
	v7 =	vld [tilespmem:$0x40];
	v0 =	vtrunc.f32 v0  }
0x62: {  	v1 =	vtrunc.f32 v1;
	v3 =	vmul.f32 $1.000000000e+02, v3  }
0x63: {  	v4 =	vmul.f32 $1.000000000e+02, v4;
	v1 =	vcvt.f32.s32 v1  }
0x64: {  	v0 =	vcvt.f32.s32 v0;
	v3 =	vtrunc.f32 v3  }
0x65: {  	v4 =	vtrunc.f32 v4;
	v6 =	vmul.f32 $1.000000000e+02, v6;
	vm0 =	vgt.s32 v1, $0x0  }
0x66: {  	v4 =	vcvt.f32.s32 v4;
	v7 =	vmul.f32 $1.000000000e+02, v7;
	v1 =	vnsel vm0, $0x0, v1  }
0x67: {  	v2 =	vtrunc.f32 v2;
	vm0 =	vgt.s32 v0, $0x0;
	v1 =	vmin.u32 v1, $0x63  }
0x68: {  	v5 =	vmul.f32 $1.000000000e+02, v5;
	vm1 =	vgt.s32 v4, $0x0;
	[tilespmem:$0xD0] =	vst v1;
	v1 =	vcvt.f32.s32 v3  }
0x69: {  	v2 =	vcvt.f32.s32 v2;
	v3 =	vnsel vm1, $0x0, v4;
	v4 =	vtrunc.f32 v7  }
0x6a: {  	v5 =	vtrunc.f32 v5;
	v3 =	vmin.u32 v3, $0x63;
	vm1 =	vgt.s32 v1, $0x0  }
0x6b: {  	v4 =	vcvt.f32.s32 v4;
	[tilespmem:$0x80] =	vst v3;
	v3 =	vtrunc.f32 v6;
	v1 =	vnsel vm1, $0x0, v1  }
0x6c: {  	v0 =	vnsel vm0, $0x0, v0;
	vm1 =	vgt.s32 v2, $0x0;
	v1 =	vmin.u32 v1, $0x63  }
0x6d: {  	v0 =	vmin.u32 v0, $0x63;
	v2 =	vnsel vm1, $0x0, v2;
	vm0 =	vgt.s32 v4, $0x0;
	[tilespmem:$0xE0] =	vst v1  }
0x6e: {  	v3 =	vcvt.f32.s32 v3;
	v1 =	vcvt.f32.s32 v5;
	v2 =	vmin.u32 v2, $0x63;
	[tilespmem:$0xF0] =	vst v0  }
0x6f: {  	v0 =	vnsel vm0, $0x0, v4;
	[tilespmem:$0xB0] =	vst v2  }
0x70: {  	vm1 =	vgt.s32 v3, $0x0;
	vm0 =	vgt.s32 v1, $0x0;
	v0 =	vmin.u32 v0, $0x63  }
0x71: {  	v2 =	vnsel vm1, $0x0, v3;
	v1 =	vnsel vm0, $0x0, v1;
	[tilespmem:$0xC0] =	vst v0  }
0x72: {  	v0 =	vmin.u32 v1, $0x63;
	v1 =	vmin.u32 v2, $0x63  }
0x73: {  	[tilespmem:$0xA0] =	vst v1  }
0x74: {  	[tilespmem:$0x90] =	vst v0  }
0x75: {  	[tilespmem:s10], [sflag:$0x1] =	stream.indirect.gather [hbm4b:s6+s9], $0x1, s9, s9, $0xb8;
	[tilespmem:$0x300] =	vst v63  }
0x76: {  	_ =	swait.ge [sflag:s11], $0x80  }
0x77: {  	[sflag:s11] =	ssyncset.done $0x0  }
0x78: {  	[sflag:s11] =	ssyncadd.s32 $0xFFFFFF80  }
0x79: {  	[tilespmem:s12], [sflag:$0x1] =	stream.indirect.gather [hbm4b:s7+s9], $0x1, s9, s9, $0xb8;
	[tilespmem:$0x300] =	vst v63  }
0x7a: {  	_ =	swait.ge [sflag:s11], $0x80  }
0x7b: {  	[sflag:s11] =	ssyncset.done $0x0  }
0x7c: {  	[sflag:s11] =	ssyncadd.s32 $0xFFFFFF80  }
0x7d: {  	v5 =	vld [tilespmem:$0x180]  }
.Ltmp2:
0x7e: {  	v4 =	vld [tilespmem:$0x1F0];
	(pc) =	sbr.rel @p0 .LBB2_2-.Ltmp2, $4  }
0x7f: {  	v3 =	vld [tilespmem:$0x190]  }
0x80: {  	v2 =	vld [tilespmem:$0x1C0]  }
0x81: {  	v1 =	vld [tilespmem:$0x1E0]  }
0x82: {  	v0 =	vld [tilespmem:$0x1B0];
	(erf) = vrcp.f32 v5  }
.LBB2_3:
0x83: {  	v49 =	vld [tilespmem:$0x100]  }
0x84: {  	v5 =	vld [tilespmem:$0x110]  }
0x85: {  	v6 =	vld [tilespmem:$0x1A0]  }
0x86: {  	(erf) = vrcp.f32 v4;
	v50 =	vld [tilespmem:$0x120]  }
0x87: {  	v7 =	vld [tilespmem:$0x1D0]  }
0x88: {  	v51 =	vld [tilespmem:$0x150]  }
0x89: {  	v52 =	vld [tilespmem:$0x130]  }
0x8a: {  	v54 =	vld [tilespmem:$0x160];
	(erf) = vrcp.f32 v3;
	[tilespmem:$0x200] =	vst v49  }
0x8b: {  	v56 =	vld [tilespmem:$0x170];
	(erf) = vrcp.f32 v2;
	[tilespmem:$0x210] =	vst v5  }
0x8c: {  	v57 =	vld [tilespmem:$0x140];
	(erf) = vrcp.f32 v1;
	[tilespmem:$0x220] =	vst v50  }
0x8d: {  	[tilespmem:$0x250] =	vst v51;
	v53 =	vpop (erf);
	(erf) = vrcp.f32 v0  }
0x8e: {  	[tilespmem:$0x230] =	vst v52;
	(erf) = vrcp.f32 v6  }
0x8f: {  	[tilespmem:$0x260] =	vst v54;
	v55 =	vpop (erf);
	(erf) = vrcp.f32 v7  }
0x90: {  	[tilespmem:$0x270] =	vst v56  }
0x91: {  	[tilespmem:$0x240] =	vst v57  }
0x92: {  	[tilespmem:$0x280] =	vst v53  }
0x93: {  	[tilespmem:$0x2F0] =	vst v55;
	v58 =	vpop (erf)  }
0x94: {  	[tilespmem:$0x290] =	vst v58;
	v59 =	vpop (erf)  }
0x95: {  	v60 =	vpop (erf);
	[tilespmem:$0x2C0] =	vst v59  }
0x96: {  	[tilespmem:$0x2E0] =	vst v60;
	v61 =	vpop (erf)  }
0x97: {  	v62 =	vpop (erf);
	[tilespmem:$0x2B0] =	vst v61  }
0x98: {  	v63 =	vpop (erf);
	[tilespmem:$0x2A0] =	vst v62  }
0x99: {  	[tilespmem:$0x2D0] =	vst v63  }
0x9a: {  	[hbm4b:s2+s4] =	stream.linear.scatter [tilespmem:s8], [sflag:$0x2], $0x100, $0x38;
	[tilespmem:$0x300] =	vst v63  }
0x9b: {  	_ =	swait.ge [sflag:s3], $0x100  }
0x9c: {  	[sflag:s3] =	ssyncset.done $0x0  }
0x9d: {  	[sflag:s3] =	ssyncadd.s32 $0xFFFFFF00  }
.LBB2_4:
0x9e: {  	_ =	sfence.sel $0x180000  }
0x9f: {  	[bflag:$0x0] =	sbarrier.arrive $0xFFFF  }
0xa0: {  	p0 =	sne.s32 s0, $0x0;
	_ =	strace $0x90000047  }
0xa1: {  	s0 =	sadd.s32 @!p0 $0x100000, s1;
	[bflag:$0x2] =	sbarrier.arrive $0xFFFF  }
0xa2: {  	[sflag:s0] =	ssyncadd.tile.s32 @!p0 $0x1;
	_ =	shalt  }
.Lfunc_end2:
_tile_overlayer_lowered:
.L_overlay_start_2:
0xa3: {  	(tag) =	ssettag $0x2  }
0xa4: {  	s0 =	rddreg [dreg:$0x0];
	s2 =	stileid.u32  }
0xa5: {  	s1 =	rddreg [dreg:$0x1];
	p0 =	sne.s32 s2, $0x0  }
0xa6: {  	s3 =	rddreg [dreg:$0x2];
	[bflag:$0x3] =	sbarrier.arrive $0xFFFF;
	s2 =	simm.s32 @!p0 $0x1C02  }
0xa7: {  	[timem:s3], [sflag:s2] =	dma.local @!p0 [hbm:s0], s1  }
0xa8: {  	s0 =	simm.s32 @!p0 $0x2  }
0xa9: {  	_ =	swait.ge @!p0 [sflag:s0], s1  }
0xaa: {  	s1 =	ssub.s32 @!p0 $0x0, s1;
	[sflag:s0] =	ssyncset.done @!p0 $0x0  }
0xab: {  	[sflag:s0] =	ssyncadd.s32 @!p0 s1  }
0xac: {  	[bflag:$0x3] =	sbarrier.arrive $0xFFFF  }
0xad: {  	_ =	shalt  }

</sc_bundles>
